<compile_context>
chip_gen: v7x
topology: tpu7x:2x2x1
jax: 0.10.2.dev20260603
libtpu: 0.0.44.dev20260713+nightly
codegen_flags: <defaults>
</compile_context>

<pallas_src>
import functools

import jax
import jax.numpy as jnp
from jax import lax
from jax.experimental import pallas as pl
from jax.experimental.pallas import tpu as pltpu
from jax.experimental.pallas import tpu_sc as plsc

_NW = 32
_NBUF = 3


def _gather_kernel(n_rows, d, chunk):
    b_per_w = n_rows // _NW
    n_chunks = b_per_w // chunk
    mesh = plsc.VectorSubcoreMesh(core_axis_name="c", subcore_axis_name="s")

    @functools.partial(
        pl.kernel,
        mesh=mesh,
        out_type=jax.ShapeDtypeStruct((n_rows, d), jnp.float32),
        scratch_types=[
            pltpu.VMEM((b_per_w,), jnp.int32),
            [pltpu.VMEM((chunk, d), jnp.float32) for _ in range(_NBUF)],
            [pltpu.SemaphoreType.DMA for _ in range(_NBUF)],
            [pltpu.SemaphoreType.DMA for _ in range(_NBUF)],
        ],
        compiler_params=pltpu.CompilerParams(use_tc_tiling_on_sc=False),
    )
    def k(idx_hbm, table_hbm, out_hbm, idx_all, rows, sem_g, sem_o):
        cid = lax.axis_index("c")
        sid = lax.axis_index("s")
        wid = sid * 2 + cid
        base = wid * b_per_w

        pltpu.sync_copy(idx_hbm.at[pl.ds(base, b_per_w)], idx_all)

        gathers = {}
        stores = {}

        def start_store(j):
            r = j % _NBUF
            gathers[j].wait()
            stores[j] = pltpu.async_copy(
                rows[r], out_hbm.at[pl.ds(base + j * chunk, chunk)], sem_o[r]
            )

        for i in range(n_chunks):
            r = i % _NBUF
            if i >= _NBUF:
                stores[i - _NBUF].wait()
            gathers[i] = pltpu.async_copy(
                table_hbm.at[idx_all.at[pl.ds(i * chunk, chunk)]], rows[r], sem_g[r]
            )
            if i >= 1:
                start_store(i - 1)
        start_store(n_chunks - 1)
        for j in range(max(0, n_chunks - _NBUF + 1), n_chunks):
            stores[j].wait()

    return k


def kernel(x, table):
    b, f = x.shape
    v, d = table.shape
    n_rows = b * f
    chunk = 1024
    idx = x.reshape(n_rows)
    out = _gather_kernel(n_rows, d, chunk)(idx, table)
    return out.reshape(b, f * d)

# --- scband reference (transcript-rebuilt; emitter-appended) ---
"""Pipeline reference for scband-embedding-layer-51453708206552 (READ-ONLY COPY).

The authoritative reference and input builder live on the scoring server;
editing this copy changes nothing except your own understanding.
"""

import jax, jax.numpy as jnp
import numpy as np

VOCAB = 1000000
EMBED_DIM = int(VOCAB ** 0.25) + 1  # 32

def setup_inputs(seed: int = 0) -> dict:
    key = jax.random.key(seed)
    k_idx, k_tab = jax.random.split(key)
    x = jax.random.randint(k_idx, (16384, 26), 0, VOCAB, dtype=jnp.int64) if jax.config.read('jax_enable_x64') else jax.random.randint(k_idx, (16384, 26), 0, VOCAB, dtype=jnp.int32)
    table = jax.random.normal(k_tab, (VOCAB, EMBED_DIM), dtype=jnp.float32)
    return {"x": x, "table": table}

def reference(x, table):
    # nn.Embedding lookup: gather rows of the table
    emb = jnp.take(table, x, axis=0)  # [B, F, D]
    # nn.Flatten: flatten all dims except batch
    B = emb.shape[0]
    return emb.reshape(B, -1)  # [B, F*D]

if __name__ == "__main__":
    import jax
    _d = setup_inputs()
    print(jax.jit(kernel)(*tuple(_d.values())))

</pallas_src>

<mosaic_0001>
#map = affine_map<(d0, d1) -> (0)>
#map1 = affine_map<(d0, d1) -> (0, 0)>
module attributes {stable_mosaic.version = 14 : i64} {
  func.func @k(%arg0: i32, %arg1: i32, %arg2: memref<425984xi32, #tpu.memory_space<hbm>>, %arg3: memref<1000000x32xf32, #tpu.memory_space<hbm>>, %arg4: memref<425984x32xf32, #tpu.memory_space<hbm>>, %arg5: memref<13312xi32, #tpu.memory_space<vmem>>, %arg6: memref<1024x32xf32, #tpu.memory_space<vmem>>, %arg7: memref<1024x32xf32, #tpu.memory_space<vmem>>, %arg8: memref<1024x32xf32, #tpu.memory_space<vmem>>, %arg9: memref<!tpu.dma_semaphore, #tpu.memory_space<semaphore_mem>>, %arg10: memref<!tpu.dma_semaphore, #tpu.memory_space<semaphore_mem>>, %arg11: memref<!tpu.dma_semaphore, #tpu.memory_space<semaphore_mem>>, %arg12: memref<!tpu.dma_semaphore, #tpu.memory_space<semaphore_mem>>, %arg13: memref<!tpu.dma_semaphore, #tpu.memory_space<semaphore_mem>>, %arg14: memref<!tpu.dma_semaphore, #tpu.memory_space<semaphore_mem>>) attributes {dimension_semantics = [#tpu.dimension_semantics<core_parallel>, #tpu.dimension_semantics<subcore_parallel>], iteration_bounds = array<i64: 2, 16>, scalar_prefetch = 0 : i64, scratch_operands = 10 : i64, tpu.core_type = #tpu.core_type<sc_vector_subcore>, window_params = [{transform_indices = #map}, {transform_indices = #map1}, {transform_indices = #map1}]} {
    %mul3A = arith.constant 2 : i32
    %mul3A_0 = arith.muli %arg1, %mul3A : i32
    %add3A = arith.addi %mul3A_0, %arg0 : i32
    %mul3A_1 = arith.constant 13312 : i32
    %mul3A_2 = arith.muli %add3A, %mul3A_1 : i32
    "tpu.region"() ({
      %run_scoped3A = tpu.sem_alloc : memref<!tpu.dma_semaphore, #tpu.memory_space<semaphore_mem>>
      %dma_start3A_257 = tpu.memref_slice %arg2[%mul3A_2] : memref<425984xi32, #tpu.memory_space<hbm>> -> memref<13312xi32, #tpu.memory_space<hbm>>
      %dma_start3A_258 = tpu.memref_slice %arg2[%mul3A_2] : memref<425984xi32, #tpu.memory_space<hbm>> -> memref<13312xi32, #tpu.memory_space<hbm>>
      tpu.enqueue_dma source(%dma_start3A_258 : memref<13312xi32, #tpu.memory_space<hbm>>) target(%arg5 : memref<13312xi32, #tpu.memory_space<vmem>>) target_semaphore(%run_scoped3A : memref<!tpu.dma_semaphore, #tpu.memory_space<semaphore_mem>>)
      %dma_wait3A_259 = tpu.memref_slice %arg2[%mul3A_2] : memref<425984xi32, #tpu.memory_space<hbm>> -> memref<13312xi32, #tpu.memory_space<hbm>>
      %dma_wait3A_260 = tpu.memref_slice %arg2[%mul3A_2] : memref<425984xi32, #tpu.memory_space<hbm>> -> memref<13312xi32, #tpu.memory_space<hbm>>
      tpu.wait_dma2 semaphore(%run_scoped3A : memref<!tpu.dma_semaphore, #tpu.memory_space<semaphore_mem>>) src(%dma_wait3A_260 : memref<13312xi32, #tpu.memory_space<hbm>>) dst(%arg5 : memref<13312xi32, #tpu.memory_space<vmem>>)
      tpu.yield
    }) : () -> ()
    %dma_start3A = arith.constant 0 : i32
    %dma_start3A_3 = tpu.memref_slice %arg5[%dma_start3A] : memref<13312xi32, #tpu.memory_space<vmem>> -> memref<1024xi32, #tpu.memory_space<vmem>>
    %dma_start3A_4 = arith.constant 0 : i32
    %dma_start3A_5 = arith.constant 0 : i32
    %dma_start3A_6 = tpu.memref_slice %arg3[%dma_start3A_4, %dma_start3A_5] : memref<1000000x32xf32, #tpu.memory_space<hbm>> -> memref<1000000x32xf32, #tpu.memory_space<hbm>>
    tpu.enqueue_indirect_dma source(%dma_start3A_6 : memref<1000000x32xf32, #tpu.memory_space<hbm>>) target(%arg6 : memref<1024x32xf32, #tpu.memory_space<vmem>>) offsets(%dma_start3A_3 : memref<1024xi32, #tpu.memory_space<vmem>>) semaphore(%arg9 : memref<!tpu.dma_semaphore, #tpu.memory_space<semaphore_mem>>)
    %dma_start3A_7 = arith.constant 1024 : i32
    %dma_start3A_8 = tpu.memref_slice %arg5[%dma_start3A_7] : memref<13312xi32, #tpu.memory_space<vmem>> -> memref<1024xi32, #tpu.memory_space<vmem>>
    %dma_start3A_9 = arith.constant 0 : i32
    %dma_start3A_10 = arith.constant 0 : i32
    %dma_start3A_11 = tpu.memref_slice %arg3[%dma_start3A_9, %dma_start3A_10] : memref<1000000x32xf32, #tpu.memory_space<hbm>> -> memref<1000000x32xf32, #tpu.memory_space<hbm>>
    tpu.enqueue_indirect_dma source(%dma_start3A_11 : memref<1000000x32xf32, #tpu.memory_space<hbm>>) target(%arg7 : memref<1024x32xf32, #tpu.memory_space<vmem>>) offsets(%dma_start3A_8 : memref<1024xi32, #tpu.memory_space<vmem>>) semaphore(%arg10 : memref<!tpu.dma_semaphore, #tpu.memory_space<semaphore_mem>>)
    %dma_wait3A = arith.constant 0 : i32
    %dma_wait3A_12 = tpu.memref_slice %arg5[%dma_wait3A] : memref<13312xi32, #tpu.memory_space<vmem>> -> memref<1024xi32, #tpu.memory_space<vmem>>
    %dma_wait3A_13 = arith.constant 0 : i32
    %dma_wait3A_14 = arith.constant 0 : i32
    %dma_wait3A_15 = tpu.memref_slice %arg3[%dma_wait3A_13, %dma_wait3A_14] : memref<1000000x32xf32, #tpu.memory_space<hbm>> -> memref<1000000x32xf32, #tpu.memory_space<hbm>>
    tpu.wait_indirect_dma semaphore(%arg9 : memref<!tpu.dma_semaphore, #tpu.memory_space<semaphore_mem>>) src(%dma_wait3A_15 : memref<1000000x32xf32, #tpu.memory_space<hbm>>) dst(%arg6 : memref<1024x32xf32, #tpu.memory_space<vmem>>)
    %add3A_16 = arith.constant 0 : i32
    %add3A_17 = arith.addi %mul3A_2, %add3A_16 : i32
    %dma_start3A_18 = arith.constant 0 : i32
    %dma_start3A_19 = tpu.memref_slice %arg4[%add3A_17, %dma_start3A_18] : memref<425984x32xf32, #tpu.memory_space<hbm>> -> memref<1024x32xf32, #tpu.memory_space<hbm>>
    %dma_start3A_20 = arith.constant 0 : i32
    %dma_start3A_21 = tpu.memref_slice %arg4[%add3A_17, %dma_start3A_20] : memref<425984x32xf32, #tpu.memory_space<hbm>> -> memref<1024x32xf32, #tpu.memory_space<hbm>>
    tpu.enqueue_dma source(%arg6 : memref<1024x32xf32, #tpu.memory_space<vmem>>) target(%dma_start3A_21 : memref<1024x32xf32, #tpu.memory_space<hbm>>) target_semaphore(%arg12 : memref<!tpu.dma_semaphore, #tpu.memory_space<semaphore_mem>>)
    %dma_start3A_22 = arith.constant 2048 : i32
    %dma_start3A_23 = tpu.memref_slice %arg5[%dma_start3A_22] : memref<13312xi32, #tpu.memory_space<vmem>> -> memref<1024xi32, #tpu.memory_space<vmem>>
    %dma_start3A_24 = arith.constant 0 : i32
    %dma_start3A_25 = arith.constant 0 : i32
    %dma_start3A_26 = tpu.memref_slice %arg3[%dma_start3A_24, %dma_start3A_25] : memref<1000000x32xf32, #tpu.memory_space<hbm>> -> memref<1000000x32xf32, #tpu.memory_space<hbm>>
    tpu.enqueue_indirect_dma source(%dma_start3A_26 : memref<1000000x32xf32, #tpu.memory_space<hbm>>) target(%arg8 : memref<1024x32xf32, #tpu.memory_space<vmem>>) offsets(%dma_start3A_23 : memref<1024xi32, #tpu.memory_space<vmem>>) semaphore(%arg11 : memref<!tpu.dma_semaphore, #tpu.memory_space<semaphore_mem>>)
    %dma_wait3A_27 = arith.constant 1024 : i32
    %dma_wait3A_28 = tpu.memref_slice %arg5[%dma_wait3A_27] : memref<13312xi32, #tpu.memory_space<vmem>> -> memref<1024xi32, #tpu.memory_space<vmem>>
    %dma_wait3A_29 = arith.constant 0 : i32
    %dma_wait3A_30 = arith.constant 0 : i32
    %dma_wait3A_31 = tpu.memref_slice %arg3[%dma_wait3A_29, %dma_wait3A_30] : memref<1000000x32xf32, #tpu.memory_space<hbm>> -> memref<1000000x32xf32, #tpu.memory_space<hbm>>
    tpu.wait_indirect_dma semaphore(%arg10 : memref<!tpu.dma_semaphore, #tpu.memory_space<semaphore_mem>>) src(%dma_wait3A_31 : memref<1000000x32xf32, #tpu.memory_space<hbm>>) dst(%arg7 : memref<1024x32xf32, #tpu.memory_space<vmem>>)
    %add3A_32 = arith.constant 1024 : i32
    %add3A_33 = arith.addi %mul3A_2, %add3A_32 : i32
    %dma_start3A_34 = arith.constant 0 : i32
    %dma_start3A_35 = tpu.memref_slice %arg4[%add3A_33, %dma_start3A_34] : memref<425984x32xf32, #tpu.memory_space<hbm>> -> memref<1024x32xf32, #tpu.memory_space<hbm>>
    %dma_start3A_36 = arith.constant 0 : i32
    %dma_start3A_37 = tpu.memref_slice %arg4[%add3A_33, %dma_start3A_36] : memref<425984x32xf32, #tpu.memory_space<hbm>> -> memref<1024x32xf32, #tpu.memory_space<hbm>>
    tpu.enqueue_dma source(%arg7 : memref<1024x32xf32, #tpu.memory_space<vmem>>) target(%dma_start3A_37 : memref<1024x32xf32, #tpu.memory_space<hbm>>) target_semaphore(%arg13 : memref<!tpu.dma_semaphore, #tpu.memory_space<semaphore_mem>>)
    %dma_wait3A_38 = arith.constant 0 : i32
    %dma_wait3A_39 = tpu.memref_slice %arg4[%add3A_17, %dma_wait3A_38] : memref<425984x32xf32, #tpu.memory_space<hbm>> -> memref<1024x32xf32, #tpu.memory_space<hbm>>
    %dma_wait3A_40 = arith.constant 0 : i32
    %dma_wait3A_41 = tpu.memref_slice %arg4[%add3A_17, %dma_wait3A_40] : memref<425984x32xf32, #tpu.memory_space<hbm>> -> memref<1024x32xf32, #tpu.memory_space<hbm>>
    tpu.wait_dma2 semaphore(%arg12 : memref<!tpu.dma_semaphore, #tpu.memory_space<semaphore_mem>>) src(%arg6 : memref<1024x32xf32, #tpu.memory_space<vmem>>) dst(%dma_wait3A_41 : memref<1024x32xf32, #tpu.memory_space<hbm>>)
    %dma_start3A_42 = arith.constant 3072 : i32
    %dma_start3A_43 = tpu.memref_slice %arg5[%dma_start3A_42] : memref<13312xi32, #tpu.memory_space<vmem>> -> memref<1024xi32, #tpu.memory_space<vmem>>
    %dma_start3A_44 = arith.constant 0 : i32
    %dma_start3A_45 = arith.constant 0 : i32
    %dma_start3A_46 = tpu.memref_slice %arg3[%dma_start3A_44, %dma_start3A_45] : memref<1000000x32xf32, #tpu.memory_space<hbm>> -> memref<1000000x32xf32, #tpu.memory_space<hbm>>
    tpu.enqueue_indirect_dma source(%dma_start3A_46 : memref<1000000x32xf32, #tpu.memory_space<hbm>>) target(%arg6 : memref<1024x32xf32, #tpu.memory_space<vmem>>) offsets(%dma_start3A_43 : memref<1024xi32, #tpu.memory_space<vmem>>) semaphore(%arg9 : memref<!tpu.dma_semaphore, #tpu.memory_space<semaphore_mem>>)
    %dma_wait3A_47 = arith.constant 2048 : i32
    %dma_wait3A_48 = tpu.memref_slice %arg5[%dma_wait3A_47] : memref<13312xi32, #tpu.memory_space<vmem>> -> memref<1024xi32, #tpu.memory_space<vmem>>
    %dma_wait3A_49 = arith.constant 0 : i32
    %dma_wait3A_50 = arith.constant 0 : i32
    %dma_wait3A_51 = tpu.memref_slice %arg3[%dma_wait3A_49, %dma_wait3A_50] : memref<1000000x32xf32, #tpu.memory_space<hbm>> -> memref<1000000x32xf32, #tpu.memory_space<hbm>>
    tpu.wait_indirect_dma semaphore(%arg11 : memref<!tpu.dma_semaphore, #tpu.memory_space<semaphore_mem>>) src(%dma_wait3A_51 : memref<1000000x32xf32, #tpu.memory_space<hbm>>) dst(%arg8 : memref<1024x32xf32, #tpu.memory_space<vmem>>)
    %add3A_52 = arith.constant 2048 : i32
    %add3A_53 = arith.addi %mul3A_2, %add3A_52 : i32
    %dma_start3A_54 = arith.constant 0 : i32
    %dma_start3A_55 = tpu.memref_slice %arg4[%add3A_53, %dma_start3A_54] : memref<425984x32xf32, #tpu.memory_space<hbm>> -> memref<1024x32xf32, #tpu.memory_space<hbm>>
    %dma_start3A_56 = arith.constant 0 : i32
    %dma_start3A_57 = tpu.memref_slice %arg4[%add3A_53, %dma_start3A_56] : memref<425984x32xf32, #tpu.memory_space<hbm>> -> memref<1024x32xf32, #tpu.memory_space<hbm>>
    tpu.enqueue_dma source(%arg8 : memref<1024x32xf32, #tpu.memory_space<vmem>>) target(%dma_start3A_57 : memref<1024x32xf32, #tpu.memory_space<hbm>>) target_semaphore(%arg14 : memref<!tpu.dma_semaphore, #tpu.memory_space<semaphore_mem>>)
    %dma_wait3A_58 = arith.constant 0 : i32
    %dma_wait3A_59 = tpu.memref_slice %arg4[%add3A_33, %dma_wait3A_58] : memref<425984x32xf32, #tpu.memory_space<hbm>> -> memref<1024x32xf32, #tpu.memory_space<hbm>>
    %dma_wait3A_60 = arith.constant 0 : i32
    %dma_wait3A_61 = tpu.memref_slice %arg4[%add3A_33, %dma_wait3A_60] : memref<425984x32xf32, #tpu.memory_space<hbm>> -> memref<1024x32xf32, #tpu.memory_space<hbm>>
    tpu.wait_dma2 semaphore(%arg13 : memref<!tpu.dma_semaphore, #tpu.memory_space<semaphore_mem>>) src(%arg7 : memref<1024x32xf32, #tpu.memory_space<vmem>>) dst(%dma_wait3A_61 : memref<1024x32xf32, #tpu.memory_space<hbm>>)
    %dma_start3A_62 = arith.constant 4096 : i32
    %dma_start3A_63 = tpu.memref_slice %arg5[%dma_start3A_62] : memref<13312xi32, #tpu.memory_space<vmem>> -> memref<1024xi32, #tpu.memory_space<vmem>>
    %dma_start3A_64 = arith.constant 0 : i32
    %dma_start3A_65 = arith.constant 0 : i32
    %dma_start3A_66 = tpu.memref_slice %arg3[%dma_start3A_64, %dma_start3A_65] : memref<1000000x32xf32, #tpu.memory_space<hbm>> -> memref<1000000x32xf32, #tpu.memory_space<hbm>>
    tpu.enqueue_indirect_dma source(%dma_start3A_66 : memref<1000000x32xf32, #tpu.memory_space<hbm>>) target(%arg7 : memref<1024x32xf32, #tpu.memory_space<vmem>>) offsets(%dma_start3A_63 : memref<1024xi32, #tpu.memory_space<vmem>>) semaphore(%arg10 : memref<!tpu.dma_semaphore, #tpu.memory_space<semaphore_mem>>)
    %dma_wait3A_67 = arith.constant 3072 : i32
    %dma_wait3A_68 = tpu.memref_slice %arg5[%dma_wait3A_67] : memref<13312xi32, #tpu.memory_space<vmem>> -> memref<1024xi32, #tpu.memory_space<vmem>>
    %dma_wait3A_69 = arith.constant 0 : i32
    %dma_wait3A_70 = arith.constant 0 : i32
    %dma_wait3A_71 = tpu.memref_slice %arg3[%dma_wait3A_69, %dma_wait3A_70] : memref<1000000x32xf32, #tpu.memory_space<hbm>> -> memref<1000000x32xf32, #tpu.memory_space<hbm>>
    tpu.wait_indirect_dma semaphore(%arg9 : memref<!tpu.dma_semaphore, #tpu.memory_space<semaphore_mem>>) src(%dma_wait3A_71 : memref<1000000x32xf32, #tpu.memory_space<hbm>>) dst(%arg6 : memref<1024x32xf32, #tpu.memory_space<vmem>>)
    %add3A_72 = arith.constant 3072 : i32
    %add3A_73 = arith.addi %mul3A_2, %add3A_72 : i32
    %dma_start3A_74 = arith.constant 0 : i32
    %dma_start3A_75 = tpu.memref_slice %arg4[%add3A_73, %dma_start3A_74] : memref<425984x32xf32, #tpu.memory_space<hbm>> -> memref<1024x32xf32, #tpu.memory_space<hbm>>
    %dma_start3A_76 = arith.constant 0 : i32
    %dma_start3A_77 = tpu.memref_slice %arg4[%add3A_73, %dma_start3A_76] : memref<425984x32xf32, #tpu.memory_space<hbm>> -> memref<1024x32xf32, #tpu.memory_space<hbm>>
    tpu.enqueue_dma source(%arg6 : memref<1024x32xf32, #tpu.memory_space<vmem>>) target(%dma_start3A_77 : memref<1024x32xf32, #tpu.memory_space<hbm>>) target_semaphore(%arg12 : memref<!tpu.dma_semaphore, #tpu.memory_space<semaphore_mem>>)
    %dma_wait3A_78 = arith.constant 0 : i32
    %dma_wait3A_79 = tpu.memref_slice %arg4[%add3A_53, %dma_wait3A_78] : memref<425984x32xf32, #tpu.memory_space<hbm>> -> memref<1024x32xf32, #tpu.memory_space<hbm>>
    %dma_wait3A_80 = arith.constant 0 : i32
    %dma_wait3A_81 = tpu.memref_slice %arg4[%add3A_53, %dma_wait3A_80] : memref<425984x32xf32, #tpu.memory_space<hbm>> -> memref<1024x32xf32, #tpu.memory_space<hbm>>
    tpu.wait_dma2 semaphore(%arg14 : memref<!tpu.dma_semaphore, #tpu.memory_space<semaphore_mem>>) src(%arg8 : memref<1024x32xf32, #tpu.memory_space<vmem>>) dst(%dma_wait3A_81 : memref<1024x32xf32, #tpu.memory_space<hbm>>)
    %dma_start3A_82 = arith.constant 5120 : i32
    %dma_start3A_83 = tpu.memref_slice %arg5[%dma_start3A_82] : memref<13312xi32, #tpu.memory_space<vmem>> -> memref<1024xi32, #tpu.memory_space<vmem>>
    %dma_start3A_84 = arith.constant 0 : i32
    %dma_start3A_85 = arith.constant 0 : i32
    %dma_start3A_86 = tpu.memref_slice %arg3[%dma_start3A_84, %dma_start3A_85] : memref<1000000x32xf32, #tpu.memory_space<hbm>> -> memref<1000000x32xf32, #tpu.memory_space<hbm>>
    tpu.enqueue_indirect_dma source(%dma_start3A_86 : memref<1000000x32xf32, #tpu.memory_space<hbm>>) target(%arg8 : memref<1024x32xf32, #tpu.memory_space<vmem>>) offsets(%dma_start3A_83 : memref<1024xi32, #tpu.memory_space<vmem>>) semaphore(%arg11 : memref<!tpu.dma_semaphore, #tpu.memory_space<semaphore_mem>>)
    %dma_wait3A_87 = arith.constant 4096 : i32
    %dma_wait3A_88 = tpu.memref_slice %arg5[%dma_wait3A_87] : memref<13312xi32, #tpu.memory_space<vmem>> -> memref<1024xi32, #tpu.memory_space<vmem>>
    %dma_wait3A_89 = arith.constant 0 : i32
    %dma_wait3A_90 = arith.constant 0 : i32
    %dma_wait3A_91 = tpu.memref_slice %arg3[%dma_wait3A_89, %dma_wait3A_90] : memref<1000000x32xf32, #tpu.memory_space<hbm>> -> memref<1000000x32xf32, #tpu.memory_space<hbm>>
    tpu.wait_indirect_dma semaphore(%arg10 : memref<!tpu.dma_semaphore, #tpu.memory_space<semaphore_mem>>) src(%dma_wait3A_91 : memref<1000000x32xf32, #tpu.memory_space<hbm>>) dst(%arg7 : memref<1024x32xf32, #tpu.memory_space<vmem>>)
    %add3A_92 = arith.constant 4096 : i32
    %add3A_93 = arith.addi %mul3A_2, %add3A_92 : i32
    %dma_start3A_94 = arith.constant 0 : i32
    %dma_start3A_95 = tpu.memref_slice %arg4[%add3A_93, %dma_start3A_94] : memref<425984x32xf32, #tpu.memory_space<hbm>> -> memref<1024x32xf32, #tpu.memory_space<hbm>>
    %dma_start3A_96 = arith.constant 0 : i32
    %dma_start3A_97 = tpu.memref_slice %arg4[%add3A_93, %dma_start3A_96] : memref<425984x32xf32, #tpu.memory_space<hbm>> -> memref<1024x32xf32, #tpu.memory_space<hbm>>
    tpu.enqueue_dma source(%arg7 : memref<1024x32xf32, #tpu.memory_space<vmem>>) target(%dma_start3A_97 : memref<1024x32xf32, #tpu.memory_space<hbm>>) target_semaphore(%arg13 : memref<!tpu.dma_semaphore, #tpu.memory_space<semaphore_mem>>)
    %dma_wait3A_98 = arith.constant 0 : i32
    %dma_wait3A_99 = tpu.memref_slice %arg4[%add3A_73, %dma_wait3A_98] : memref<425984x32xf32, #tpu.memory_space<hbm>> -> memref<1024x32xf32, #tpu.memory_space<hbm>>
    %dma_wait3A_100 = arith.constant 0 : i32
    %dma_wait3A_101 = tpu.memref_slice %arg4[%add3A_73, %dma_wait3A_100] : memref<425984x32xf32, #tpu.memory_space<hbm>> -> memref<1024x32xf32, #tpu.memory_space<hbm>>
    tpu.wait_dma2 semaphore(%arg12 : memref<!tpu.dma_semaphore, #tpu.memory_space<semaphore_mem>>) src(%arg6 : memref<1024x32xf32, #tpu.memory_space<vmem>>) dst(%dma_wait3A_101 : memref<1024x32xf32, #tpu.memory_space<hbm>>)
    %dma_start3A_102 = arith.constant 6144 : i32
    %dma_start3A_103 = tpu.memref_slice %arg5[%dma_start3A_102] : memref<13312xi32, #tpu.memory_space<vmem>> -> memref<1024xi32, #tpu.memory_space<vmem>>
    %dma_start3A_104 = arith.constant 0 : i32
    %dma_start3A_105 = arith.constant 0 : i32
    %dma_start3A_106 = tpu.memref_slice %arg3[%dma_start3A_104, %dma_start3A_105] : memref<1000000x32xf32, #tpu.memory_space<hbm>> -> memref<1000000x32xf32, #tpu.memory_space<hbm>>
    tpu.enqueue_indirect_dma source(%dma_start3A_106 : memref<1000000x32xf32, #tpu.memory_space<hbm>>) target(%arg6 : memref<1024x32xf32, #tpu.memory_space<vmem>>) offsets(%dma_start3A_103 : memref<1024xi32, #tpu.memory_space<vmem>>) semaphore(%arg9 : memref<!tpu.dma_semaphore, #tpu.memory_space<semaphore_mem>>)
    %dma_wait3A_107 = arith.constant 5120 : i32
    %dma_wait3A_108 = tpu.memref_slice %arg5[%dma_wait3A_107] : memref<13312xi32, #tpu.memory_space<vmem>> -> memref<1024xi32, #tpu.memory_space<vmem>>
    %dma_wait3A_109 = arith.constant 0 : i32
    %dma_wait3A_110 = arith.constant 0 : i32
    %dma_wait3A_111 = tpu.memref_slice %arg3[%dma_wait3A_109, %dma_wait3A_110] : memref<1000000x32xf32, #tpu.memory_space<hbm>> -> memref<1000000x32xf32, #tpu.memory_space<hbm>>
    tpu.wait_indirect_dma semaphore(%arg11 : memref<!tpu.dma_semaphore, #tpu.memory_space<semaphore_mem>>) src(%dma_wait3A_111 : memref<1000000x32xf32, #tpu.memory_space<hbm>>) dst(%arg8 : memref<1024x32xf32, #tpu.memory_space<vmem>>)
    %add3A_112 = arith.constant 5120 : i32
    %add3A_113 = arith.addi %mul3A_2, %add3A_112 : i32
    %dma_start3A_114 = arith.constant 0 : i32
    %dma_start3A_115 = tpu.memref_slice %arg4[%add3A_113, %dma_start3A_114] : memref<425984x32xf32, #tpu.memory_space<hbm>> -> memref<1024x32xf32, #tpu.memory_space<hbm>>
    %dma_start3A_116 = arith.constant 0 : i32
    %dma_start3A_117 = tpu.memref_slice %arg4[%add3A_113, %dma_start3A_116] : memref<425984x32xf32, #tpu.memory_space<hbm>> -> memref<1024x32xf32, #tpu.memory_space<hbm>>
    tpu.enqueue_dma source(%arg8 : memref<1024x32xf32, #tpu.memory_space<vmem>>) target(%dma_start3A_117 : memref<1024x32xf32, #tpu.memory_space<hbm>>) target_semaphore(%arg14 : memref<!tpu.dma_semaphore, #tpu.memory_space<semaphore_mem>>)
    %dma_wait3A_118 = arith.constant 0 : i32
    %dma_wait3A_119 = tpu.memref_slice %arg4[%add3A_93, %dma_wait3A_118] : memref<425984x32xf32, #tpu.memory_space<hbm>> -> memref<1024x32xf32, #tpu.memory_space<hbm>>
    %dma_wait3A_120 = arith.constant 0 : i32
    %dma_wait3A_121 = tpu.memref_slice %arg4[%add3A_93, %dma_wait3A_120] : memref<425984x32xf32, #tpu.memory_space<hbm>> -> memref<1024x32xf32, #tpu.memory_space<hbm>>
    tpu.wait_dma2 semaphore(%arg13 : memref<!tpu.dma_semaphore, #tpu.memory_space<semaphore_mem>>) src(%arg7 : memref<1024x32xf32, #tpu.memory_space<vmem>>) dst(%dma_wait3A_121 : memref<1024x32xf32, #tpu.memory_space<hbm>>)
    %dma_start3A_122 = arith.constant 7168 : i32
    %dma_start3A_123 = tpu.memref_slice %arg5[%dma_start3A_122] : memref<13312xi32, #tpu.memory_space<vmem>> -> memref<1024xi32, #tpu.memory_space<vmem>>
    %dma_start3A_124 = arith.constant 0 : i32
    %dma_start3A_125 = arith.constant 0 : i32
    %dma_start3A_126 = tpu.memref_slice %arg3[%dma_start3A_124, %dma_start3A_125] : memref<1000000x32xf32, #tpu.memory_space<hbm>> -> memref<1000000x32xf32, #tpu.memory_space<hbm>>
    tpu.enqueue_indirect_dma source(%dma_start3A_126 : memref<1000000x32xf32, #tpu.memory_space<hbm>>) target(%arg7 : memref<1024x32xf32, #tpu.memory_space<vmem>>) offsets(%dma_start3A_123 : memref<1024xi32, #tpu.memory_space<vmem>>) semaphore(%arg10 : memref<!tpu.dma_semaphore, #tpu.memory_space<semaphore_mem>>)
    %dma_wait3A_127 = arith.constant 6144 : i32
    %dma_wait3A_128 = tpu.memref_slice %arg5[%dma_wait3A_127] : memref<13312xi32, #tpu.memory_space<vmem>> -> memref<1024xi32, #tpu.memory_space<vmem>>
    %dma_wait3A_129 = arith.constant 0 : i32
    %dma_wait3A_130 = arith.constant 0 : i32
    %dma_wait3A_131 = tpu.memref_slice %arg3[%dma_wait3A_129, %dma_wait3A_130] : memref<1000000x32xf32, #tpu.memory_space<hbm>> -> memref<1000000x32xf32, #tpu.memory_space<hbm>>
    tpu.wait_indirect_dma semaphore(%arg9 : memref<!tpu.dma_semaphore, #tpu.memory_space<semaphore_mem>>) src(%dma_wait3A_131 : memref<1000000x32xf32, #tpu.memory_space<hbm>>) dst(%arg6 : memref<1024x32xf32, #tpu.memory_space<vmem>>)
    %add3A_132 = arith.constant 6144 : i32
    %add3A_133 = arith.addi %mul3A_2, %add3A_132 : i32
    %dma_start3A_134 = arith.constant 0 : i32
    %dma_start3A_135 = tpu.memref_slice %arg4[%add3A_133, %dma_start3A_134] : memref<425984x32xf32, #tpu.memory_space<hbm>> -> memref<1024x32xf32, #tpu.memory_space<hbm>>
    %dma_start3A_136 = arith.constant 0 : i32
    %dma_start3A_137 = tpu.memref_slice %arg4[%add3A_133, %dma_start3A_136] : memref<425984x32xf32, #tpu.memory_space<hbm>> -> memref<1024x32xf32, #tpu.memory_space<hbm>>
    tpu.enqueue_dma source(%arg6 : memref<1024x32xf32, #tpu.memory_space<vmem>>) target(%dma_start3A_137 : memref<1024x32xf32, #tpu.memory_space<hbm>>) target_semaphore(%arg12 : memref<!tpu.dma_semaphore, #tpu.memory_space<semaphore_mem>>)
    %dma_wait3A_138 = arith.constant 0 : i32
    %dma_wait3A_139 = tpu.memref_slice %arg4[%add3A_113, %dma_wait3A_138] : memref<425984x32xf32, #tpu.memory_space<hbm>> -> memref<1024x32xf32, #tpu.memory_space<hbm>>
    %dma_wait3A_140 = arith.constant 0 : i32
    %dma_wait3A_141 = tpu.memref_slice %arg4[%add3A_113, %dma_wait3A_140] : memref<425984x32xf32, #tpu.memory_space<hbm>> -> memref<1024x32xf32, #tpu.memory_space<hbm>>
    tpu.wait_dma2 semaphore(%arg14 : memref<!tpu.dma_semaphore, #tpu.memory_space<semaphore_mem>>) src(%arg8 : memref<1024x32xf32, #tpu.memory_space<vmem>>) dst(%dma_wait3A_141 : memref<1024x32xf32, #tpu.memory_space<hbm>>)
    %dma_start3A_142 = arith.constant 8192 : i32
    %dma_start3A_143 = tpu.memref_slice %arg5[%dma_start3A_142] : memref<13312xi32, #tpu.memory_space<vmem>> -> memref<1024xi32, #tpu.memory_space<vmem>>
    %dma_start3A_144 = arith.constant 0 : i32
    %dma_start3A_145 = arith.constant 0 : i32
    %dma_start3A_146 = tpu.memref_slice %arg3[%dma_start3A_144, %dma_start3A_145] : memref<1000000x32xf32, #tpu.memory_space<hbm>> -> memref<1000000x32xf32, #tpu.memory_space<hbm>>
    tpu.enqueue_indirect_dma source(%dma_start3A_146 : memref<1000000x32xf32, #tpu.memory_space<hbm>>) target(%arg8 : memref<1024x32xf32, #tpu.memory_space<vmem>>) offsets(%dma_start3A_143 : memref<1024xi32, #tpu.memory_space<vmem>>) semaphore(%arg11 : memref<!tpu.dma_semaphore, #tpu.memory_space<semaphore_mem>>)
    %dma_wait3A_147 = arith.constant 7168 : i32
    %dma_wait3A_148 = tpu.memref_slice %arg5[%dma_wait3A_147] : memref<13312xi32, #tpu.memory_space<vmem>> -> memref<1024xi32, #tpu.memory_space<vmem>>
    %dma_wait3A_149 = arith.constant 0 : i32
    %dma_wait3A_150 = arith.constant 0 : i32
    %dma_wait3A_151 = tpu.memref_slice %arg3[%dma_wait3A_149, %dma_wait3A_150] : memref<1000000x32xf32, #tpu.memory_space<hbm>> -> memref<1000000x32xf32, #tpu.memory_space<hbm>>
    tpu.wait_indirect_dma semaphore(%arg10 : memref<!tpu.dma_semaphore, #tpu.memory_space<semaphore_mem>>) src(%dma_wait3A_151 : memref<1000000x32xf32, #tpu.memory_space<hbm>>) dst(%arg7 : memref<1024x32xf32, #tpu.memory_space<vmem>>)
    %add3A_152 = arith.constant 7168 : i32
    %add3A_153 = arith.addi %mul3A_2, %add3A_152 : i32
    %dma_start3A_154 = arith.constant 0 : i32
    %dma_start3A_155 = tpu.memref_slice %arg4[%add3A_153, %dma_start3A_154] : memref<425984x32xf32, #tpu.memory_space<hbm>> -> memref<1024x32xf32, #tpu.memory_space<hbm>>
    %dma_start3A_156 = arith.constant 0 : i32
    %dma_start3A_157 = tpu.memref_slice %arg4[%add3A_153, %dma_start3A_156] : memref<425984x32xf32, #tpu.memory_space<hbm>> -> memref<1024x32xf32, #tpu.memory_space<hbm>>
    tpu.enqueue_dma source(%arg7 : memref<1024x32xf32, #tpu.memory_space<vmem>>) target(%dma_start3A_157 : memref<1024x32xf32, #tpu.memory_space<hbm>>) target_semaphore(%arg13 : memref<!tpu.dma_semaphore, #tpu.memory_space<semaphore_mem>>)
    %dma_wait3A_158 = arith.constant 0 : i32
    %dma_wait3A_159 = tpu.memref_slice %arg4[%add3A_133, %dma_wait3A_158] : memref<425984x32xf32, #tpu.memory_space<hbm>> -> memref<1024x32xf32, #tpu.memory_space<hbm>>
    %dma_wait3A_160 = arith.constant 0 : i32
    %dma_wait3A_161 = tpu.memref_slice %arg4[%add3A_133, %dma_wait3A_160] : memref<425984x32xf32, #tpu.memory_space<hbm>> -> memref<1024x32xf32, #tpu.memory_space<hbm>>
    tpu.wait_dma2 semaphore(%arg12 : memref<!tpu.dma_semaphore, #tpu.memory_space<semaphore_mem>>) src(%arg6 : memref<1024x32xf32, #tpu.memory_space<vmem>>) dst(%dma_wait3A_161 : memref<1024x32xf32, #tpu.memory_space<hbm>>)
    %dma_start3A_162 = arith.constant 9216 : i32
    %dma_start3A_163 = tpu.memref_slice %arg5[%dma_start3A_162] : memref<13312xi32, #tpu.memory_space<vmem>> -> memref<1024xi32, #tpu.memory_space<vmem>>
    %dma_start3A_164 = arith.constant 0 : i32
    %dma_start3A_165 = arith.constant 0 : i32
    %dma_start3A_166 = tpu.memref_slice %arg3[%dma_start3A_164, %dma_start3A_165] : memref<1000000x32xf32, #tpu.memory_space<hbm>> -> memref<1000000x32xf32, #tpu.memory_space<hbm>>
    tpu.enqueue_indirect_dma source(%dma_start3A_166 : memref<1000000x32xf32, #tpu.memory_space<hbm>>) target(%arg6 : memref<1024x32xf32, #tpu.memory_space<vmem>>) offsets(%dma_start3A_163 : memref<1024xi32, #tpu.memory_space<vmem>>) semaphore(%arg9 : memref<!tpu.dma_semaphore, #tpu.memory_space<semaphore_mem>>)
    %dma_wait3A_167 = arith.constant 8192 : i32
    %dma_wait3A_168 = tpu.memref_slice %arg5[%dma_wait3A_167] : memref<13312xi32, #tpu.memory_space<vmem>> -> memref<1024xi32, #tpu.memory_space<vmem>>
    %dma_wait3A_169 = arith.constant 0 : i32
    %dma_wait3A_170 = arith.constant 0 : i32
    %dma_wait3A_171 = tpu.memref_slice %arg3[%dma_wait3A_169, %dma_wait3A_170] : memref<1000000x32xf32, #tpu.memory_space<hbm>> -> memref<1000000x32xf32, #tpu.memory_space<hbm>>
    tpu.wait_indirect_dma semaphore(%arg11 : memref<!tpu.dma_semaphore, #tpu.memory_space<semaphore_mem>>) src(%dma_wait3A_171 : memref<1000000x32xf32, #tpu.memory_space<hbm>>) dst(%arg8 : memref<1024x32xf32, #tpu.memory_space<vmem>>)
    %add3A_172 = arith.constant 8192 : i32
    %add3A_173 = arith.addi %mul3A_2, %add3A_172 : i32
    %dma_start3A_174 = arith.constant 0 : i32
    %dma_start3A_175 = tpu.memref_slice %arg4[%add3A_173, %dma_start3A_174] : memref<425984x32xf32, #tpu.memory_space<hbm>> -> memref<1024x32xf32, #tpu.memory_space<hbm>>
    %dma_start3A_176 = arith.constant 0 : i32
    %dma_start3A_177 = tpu.memref_slice %arg4[%add3A_173, %dma_start3A_176] : memref<425984x32xf32, #tpu.memory_space<hbm>> -> memref<1024x32xf32, #tpu.memory_space<hbm>>
    tpu.enqueue_dma source(%arg8 : memref<1024x32xf32, #tpu.memory_space<vmem>>) target(%dma_start3A_177 : memref<1024x32xf32, #tpu.memory_space<hbm>>) target_semaphore(%arg14 : memref<!tpu.dma_semaphore, #tpu.memory_space<semaphore_mem>>)
    %dma_wait3A_178 = arith.constant 0 : i32
    %dma_wait3A_179 = tpu.memref_slice %arg4[%add3A_153, %dma_wait3A_178] : memref<425984x32xf32, #tpu.memory_space<hbm>> -> memref<1024x32xf32, #tpu.memory_space<hbm>>
    %dma_wait3A_180 = arith.constant 0 : i32
    %dma_wait3A_181 = tpu.memref_slice %arg4[%add3A_153, %dma_wait3A_180] : memref<425984x32xf32, #tpu.memory_space<hbm>> -> memref<1024x32xf32, #tpu.memory_space<hbm>>
    tpu.wait_dma2 semaphore(%arg13 : memref<!tpu.dma_semaphore, #tpu.memory_space<semaphore_mem>>) src(%arg7 : memref<1024x32xf32, #tpu.memory_space<vmem>>) dst(%dma_wait3A_181 : memref<1024x32xf32, #tpu.memory_space<hbm>>)
    %dma_start3A_182 = arith.constant 10240 : i32
    %dma_start3A_183 = tpu.memref_slice %arg5[%dma_start3A_182] : memref<13312xi32, #tpu.memory_space<vmem>> -> memref<1024xi32, #tpu.memory_space<vmem>>
    %dma_start3A_184 = arith.constant 0 : i32
    %dma_start3A_185 = arith.constant 0 : i32
    %dma_start3A_186 = tpu.memref_slice %arg3[%dma_start3A_184, %dma_start3A_185] : memref<1000000x32xf32, #tpu.memory_space<hbm>> -> memref<1000000x32xf32, #tpu.memory_space<hbm>>
    tpu.enqueue_indirect_dma source(%dma_start3A_186 : memref<1000000x32xf32, #tpu.memory_space<hbm>>) target(%arg7 : memref<1024x32xf32, #tpu.memory_space<vmem>>) offsets(%dma_start3A_183 : memref<1024xi32, #tpu.memory_space<vmem>>) semaphore(%arg10 : memref<!tpu.dma_semaphore, #tpu.memory_space<semaphore_mem>>)
    %dma_wait3A_187 = arith.constant 9216 : i32
    %dma_wait3A_188 = tpu.memref_slice %arg5[%dma_wait3A_187] : memref<13312xi32, #tpu.memory_space<vmem>> -> memref<1024xi32, #tpu.memory_space<vmem>>
    %dma_wait3A_189 = arith.constant 0 : i32
    %dma_wait3A_190 = arith.constant 0 : i32
    %dma_wait3A_191 = tpu.memref_slice %arg3[%dma_wait3A_189, %dma_wait3A_190] : memref<1000000x32xf32, #tpu.memory_space<hbm>> -> memref<1000000x32xf32, #tpu.memory_space<hbm>>
    tpu.wait_indirect_dma semaphore(%arg9 : memref<!tpu.dma_semaphore, #tpu.memory_space<semaphore_mem>>) src(%dma_wait3A_191 : memref<1000000x32xf32, #tpu.memory_space<hbm>>) dst(%arg6 : memref<1024x32xf32, #tpu.memory_space<vmem>>)
    %add3A_192 = arith.constant 9216 : i32
    %add3A_193 = arith.addi %mul3A_2, %add3A_192 : i32
    %dma_start3A_194 = arith.constant 0 : i32
    %dma_start3A_195 = tpu.memref_slice %arg4[%add3A_193, %dma_start3A_194] : memref<425984x32xf32, #tpu.memory_space<hbm>> -> memref<1024x32xf32, #tpu.memory_space<hbm>>
    %dma_start3A_196 = arith.constant 0 : i32
    %dma_start3A_197 = tpu.memref_slice %arg4[%add3A_193, %dma_start3A_196] : memref<425984x32xf32, #tpu.memory_space<hbm>> -> memref<1024x32xf32, #tpu.memory_space<hbm>>
    tpu.enqueue_dma source(%arg6 : memref<1024x32xf32, #tpu.memory_space<vmem>>) target(%dma_start3A_197 : memref<1024x32xf32, #tpu.memory_space<hbm>>) target_semaphore(%arg12 : memref<!tpu.dma_semaphore, #tpu.memory_space<semaphore_mem>>)
    %dma_wait3A_198 = arith.constant 0 : i32
    %dma_wait3A_199 = tpu.memref_slice %arg4[%add3A_173, %dma_wait3A_198] : memref<425984x32xf32, #tpu.memory_space<hbm>> -> memref<1024x32xf32, #tpu.memory_space<hbm>>
    %dma_wait3A_200 = arith.constant 0 : i32
    %dma_wait3A_201 = tpu.memref_slice %arg4[%add3A_173, %dma_wait3A_200] : memref<425984x32xf32, #tpu.memory_space<hbm>> -> memref<1024x32xf32, #tpu.memory_space<hbm>>
    tpu.wait_dma2 semaphore(%arg14 : memref<!tpu.dma_semaphore, #tpu.memory_space<semaphore_mem>>) src(%arg8 : memref<1024x32xf32, #tpu.memory_space<vmem>>) dst(%dma_wait3A_201 : memref<1024x32xf32, #tpu.memory_space<hbm>>)
    %dma_start3A_202 = arith.constant 11264 : i32
    %dma_start3A_203 = tpu.memref_slice %arg5[%dma_start3A_202] : memref<13312xi32, #tpu.memory_space<vmem>> -> memref<1024xi32, #tpu.memory_space<vmem>>
    %dma_start3A_204 = arith.constant 0 : i32
    %dma_start3A_205 = arith.constant 0 : i32
    %dma_start3A_206 = tpu.memref_slice %arg3[%dma_start3A_204, %dma_start3A_205] : memref<1000000x32xf32, #tpu.memory_space<hbm>> -> memref<1000000x32xf32, #tpu.memory_space<hbm>>
    tpu.enqueue_indirect_dma source(%dma_start3A_206 : memref<1000000x32xf32, #tpu.memory_space<hbm>>) target(%arg8 : memref<1024x32xf32, #tpu.memory_space<vmem>>) offsets(%dma_start3A_203 : memref<1024xi32, #tpu.memory_space<vmem>>) semaphore(%arg11 : memref<!tpu.dma_semaphore, #tpu.memory_space<semaphore_mem>>)
    %dma_wait3A_207 = arith.constant 10240 : i32
    %dma_wait3A_208 = tpu.memref_slice %arg5[%dma_wait3A_207] : memref<13312xi32, #tpu.memory_space<vmem>> -> memref<1024xi32, #tpu.memory_space<vmem>>
    %dma_wait3A_209 = arith.constant 0 : i32
    %dma_wait3A_210 = arith.constant 0 : i32
    %dma_wait3A_211 = tpu.memref_slice %arg3[%dma_wait3A_209, %dma_wait3A_210] : memref<1000000x32xf32, #tpu.memory_space<hbm>> -> memref<1000000x32xf32, #tpu.memory_space<hbm>>
    tpu.wait_indirect_dma semaphore(%arg10 : memref<!tpu.dma_semaphore, #tpu.memory_space<semaphore_mem>>) src(%dma_wait3A_211 : memref<1000000x32xf32, #tpu.memory_space<hbm>>) dst(%arg7 : memref<1024x32xf32, #tpu.memory_space<vmem>>)
    %add3A_212 = arith.constant 10240 : i32
    %add3A_213 = arith.addi %mul3A_2, %add3A_212 : i32
    %dma_start3A_214 = arith.constant 0 : i32
    %dma_start3A_215 = tpu.memref_slice %arg4[%add3A_213, %dma_start3A_214] : memref<425984x32xf32, #tpu.memory_space<hbm>> -> memref<1024x32xf32, #tpu.memory_space<hbm>>
    %dma_start3A_216 = arith.constant 0 : i32
    %dma_start3A_217 = tpu.memref_slice %arg4[%add3A_213, %dma_start3A_216] : memref<425984x32xf32, #tpu.memory_space<hbm>> -> memref<1024x32xf32, #tpu.memory_space<hbm>>
    tpu.enqueue_dma source(%arg7 : memref<1024x32xf32, #tpu.memory_space<vmem>>) target(%dma_start3A_217 : memref<1024x32xf32, #tpu.memory_space<hbm>>) target_semaphore(%arg13 : memref<!tpu.dma_semaphore, #tpu.memory_space<semaphore_mem>>)
    %dma_wait3A_218 = arith.constant 0 : i32
    %dma_wait3A_219 = tpu.memref_slice %arg4[%add3A_193, %dma_wait3A_218] : memref<425984x32xf32, #tpu.memory_space<hbm>> -> memref<1024x32xf32, #tpu.memory_space<hbm>>
    %dma_wait3A_220 = arith.constant 0 : i32
    %dma_wait3A_221 = tpu.memref_slice %arg4[%add3A_193, %dma_wait3A_220] : memref<425984x32xf32, #tpu.memory_space<hbm>> -> memref<1024x32xf32, #tpu.memory_space<hbm>>
    tpu.wait_dma2 semaphore(%arg12 : memref<!tpu.dma_semaphore, #tpu.memory_space<semaphore_mem>>) src(%arg6 : memref<1024x32xf32, #tpu.memory_space<vmem>>) dst(%dma_wait3A_221 : memref<1024x32xf32, #tpu.memory_space<hbm>>)
    %dma_start3A_222 = arith.constant 12288 : i32
    %dma_start3A_223 = tpu.memref_slice %arg5[%dma_start3A_222] : memref<13312xi32, #tpu.memory_space<vmem>> -> memref<1024xi32, #tpu.memory_space<vmem>>
    %dma_start3A_224 = arith.constant 0 : i32
    %dma_start3A_225 = arith.constant 0 : i32
    %dma_start3A_226 = tpu.memref_slice %arg3[%dma_start3A_224, %dma_start3A_225] : memref<1000000x32xf32, #tpu.memory_space<hbm>> -> memref<1000000x32xf32, #tpu.memory_space<hbm>>
    tpu.enqueue_indirect_dma source(%dma_start3A_226 : memref<1000000x32xf32, #tpu.memory_space<hbm>>) target(%arg6 : memref<1024x32xf32, #tpu.memory_space<vmem>>) offsets(%dma_start3A_223 : memref<1024xi32, #tpu.memory_space<vmem>>) semaphore(%arg9 : memref<!tpu.dma_semaphore, #tpu.memory_space<semaphore_mem>>)
    %dma_wait3A_227 = arith.constant 11264 : i32
    %dma_wait3A_228 = tpu.memref_slice %arg5[%dma_wait3A_227] : memref<13312xi32, #tpu.memory_space<vmem>> -> memref<1024xi32, #tpu.memory_space<vmem>>
    %dma_wait3A_229 = arith.constant 0 : i32
    %dma_wait3A_230 = arith.constant 0 : i32
    %dma_wait3A_231 = tpu.memref_slice %arg3[%dma_wait3A_229, %dma_wait3A_230] : memref<1000000x32xf32, #tpu.memory_space<hbm>> -> memref<1000000x32xf32, #tpu.memory_space<hbm>>
    tpu.wait_indirect_dma semaphore(%arg11 : memref<!tpu.dma_semaphore, #tpu.memory_space<semaphore_mem>>) src(%dma_wait3A_231 : memref<1000000x32xf32, #tpu.memory_space<hbm>>) dst(%arg8 : memref<1024x32xf32, #tpu.memory_space<vmem>>)
    %add3A_232 = arith.constant 11264 : i32
    %add3A_233 = arith.addi %mul3A_2, %add3A_232 : i32
    %dma_start3A_234 = arith.constant 0 : i32
    %dma_start3A_235 = tpu.memref_slice %arg4[%add3A_233, %dma_start3A_234] : memref<425984x32xf32, #tpu.memory_space<hbm>> -> memref<1024x32xf32, #tpu.memory_space<hbm>>
    %dma_start3A_236 = arith.constant 0 : i32
    %dma_start3A_237 = tpu.memref_slice %arg4[%add3A_233, %dma_start3A_236] : memref<425984x32xf32, #tpu.memory_space<hbm>> -> memref<1024x32xf32, #tpu.memory_space<hbm>>
    tpu.enqueue_dma source(%arg8 : memref<1024x32xf32, #tpu.memory_space<vmem>>) target(%dma_start3A_237 : memref<1024x32xf32, #tpu.memory_space<hbm>>) target_semaphore(%arg14 : memref<!tpu.dma_semaphore, #tpu.memory_space<semaphore_mem>>)
    %dma_wait3A_238 = arith.constant 12288 : i32
    %dma_wait3A_239 = tpu.memref_slice %arg5[%dma_wait3A_238] : memref<13312xi32, #tpu.memory_space<vmem>> -> memref<1024xi32, #tpu.memory_space<vmem>>
    %dma_wait3A_240 = arith.constant 0 : i32
    %dma_wait3A_241 = arith.constant 0 : i32
    %dma_wait3A_242 = tpu.memref_slice %arg3[%dma_wait3A_240, %dma_wait3A_241] : memref<1000000x32xf32, #tpu.memory_space<hbm>> -> memref<1000000x32xf32, #tpu.memory_space<hbm>>
    tpu.wait_indirect_dma semaphore(%arg9 : memref<!tpu.dma_semaphore, #tpu.memory_space<semaphore_mem>>) src(%dma_wait3A_242 : memref<1000000x32xf32, #tpu.memory_space<hbm>>) dst(%arg6 : memref<1024x32xf32, #tpu.memory_space<vmem>>)
    %add3A_243 = arith.constant 12288 : i32
    %add3A_244 = arith.addi %mul3A_2, %add3A_243 : i32
    %dma_start3A_245 = arith.constant 0 : i32
    %dma_start3A_246 = tpu.memref_slice %arg4[%add3A_244, %dma_start3A_245] : memref<425984x32xf32, #tpu.memory_space<hbm>> -> memref<1024x32xf32, #tpu.memory_space<hbm>>
    %dma_start3A_247 = arith.constant 0 : i32
    %dma_start3A_248 = tpu.memref_slice %arg4[%add3A_244, %dma_start3A_247] : memref<425984x32xf32, #tpu.memory_space<hbm>> -> memref<1024x32xf32, #tpu.memory_space<hbm>>
    tpu.enqueue_dma source(%arg6 : memref<1024x32xf32, #tpu.memory_space<vmem>>) target(%dma_start3A_248 : memref<1024x32xf32, #tpu.memory_space<hbm>>) target_semaphore(%arg12 : memref<!tpu.dma_semaphore, #tpu.memory_space<semaphore_mem>>)
    %dma_wait3A_249 = arith.constant 0 : i32
    %dma_wait3A_250 = tpu.memref_slice %arg4[%add3A_233, %dma_wait3A_249] : memref<425984x32xf32, #tpu.memory_space<hbm>> -> memref<1024x32xf32, #tpu.memory_space<hbm>>
    %dma_wait3A_251 = arith.constant 0 : i32
    %dma_wait3A_252 = tpu.memref_slice %arg4[%add3A_233, %dma_wait3A_251] : memref<425984x32xf32, #tpu.memory_space<hbm>> -> memref<1024x32xf32, #tpu.memory_space<hbm>>
    tpu.wait_dma2 semaphore(%arg14 : memref<!tpu.dma_semaphore, #tpu.memory_space<semaphore_mem>>) src(%arg8 : memref<1024x32xf32, #tpu.memory_space<vmem>>) dst(%dma_wait3A_252 : memref<1024x32xf32, #tpu.memory_space<hbm>>)
    %dma_wait3A_253 = arith.constant 0 : i32
    %dma_wait3A_254 = tpu.memref_slice %arg4[%add3A_244, %dma_wait3A_253] : memref<425984x32xf32, #tpu.memory_space<hbm>> -> memref<1024x32xf32, #tpu.memory_space<hbm>>
    %dma_wait3A_255 = arith.constant 0 : i32
    %dma_wait3A_256 = tpu.memref_slice %arg4[%add3A_244, %dma_wait3A_255] : memref<425984x32xf32, #tpu.memory_space<hbm>> -> memref<1024x32xf32, #tpu.memory_space<hbm>>
    tpu.wait_dma2 semaphore(%arg12 : memref<!tpu.dma_semaphore, #tpu.memory_space<semaphore_mem>>) src(%arg6 : memref<1024x32xf32, #tpu.memory_space<vmem>>) dst(%dma_wait3A_256 : memref<1024x32xf32, #tpu.memory_space<hbm>>)
    return
  }
}

</mosaic_0001>

<sc_bundles>
// kernel: kernel.3.cloned.1.call-start
scs
__scs_entry_jumppad:
0x0: {  	(pc) =	sbr.rel $0x88, $3  }
0x1: {  	(tag) =	ssettag $0x0;
	lr =	simm.s32 $0x1  }
0x2: {  	[smem:$0x3F9F] =	sst lr;
	_ =	strace $0xD0000000  }
0x3: {  	_ = 	snop  }
0x4: {  	_ = 	snop  }
0x5: {  	_ = 	snop  }
0x6: {  	_ = 	snop  }
0x7: {  	_ = 	snop  }
__scs_overlays_trampoline_lowered:
0x8: {  	[smem:$0x3FAE] =	sst s0  }
0x9: {  	[smem:$0x3FAF] =	sst s1  }
0xa: {  	[smem:$0x3FB0] =	sst s2  }
0xb: {  	[smem:$0x3FB1] =	sst s3  }
0xc: {  	[smem:$0x3FB2] =	sst s4  }
0xd: {  	[smem:$0x3FB3] =	sst s5  }
0xe: {  	[smem:$0x3FB4] =	sst s6  }
0xf: {  	[smem:$0x3FB5] =	sst s7  }
0x10: {  	[smem:$0x3FB6] =	sst s8  }
0x11: {  	[smem:$0x3FB7] =	sst s9;
	s0 =	simm.s32 @!p0 $0x0  }
0x12: {  	s1 =	sld [smem:$0x3F9D];
	s0 =	simm.s32 @p0 $0x1  }
0x13: {  	[smem:$0x3FB8] =	sst s0;
	s0 =	simm.s32 @!p1 $0x0  }
0x14: {  	s2 =	sld [smem:$0x3F9C];
	s0 =	simm.s32 @p1 $0x1  }
0x15: {  	[smem:$0x3FB9] =	sst s0;
	s0 =	simm.s32 @!p2 $0x0  }
0x16: {  	s3 =	sld [smem:$0x3FDB];
	s0 =	simm.s32 @p2 $0x1  }
0x17: {  	s4 =	simm.s32 $0x1BF5;
	[smem:$0x3FBB] =	sst s0  }
0x18: {  	s0 =	sld [smem:$0x3F9E];
	_ =	swait.ge [sflag:s4], $0x0  }
0x19: {  	s7 =	sld [smem:$0x3F9F]  }
0x1a: {  	s8 =	sadd.s32 $0xFFFFE003, lr  }
0x1b: {  	s9 =	sadd.s32 $0xFFFFFEF7, lr;
	s5 =	simm.s32 $0xFFFFFFFF;
	p2 =	slt.u32 s8, $0xFFFFF086  }
0x1c: {  	p1 =	slt.u32 s9, $0xF7A;
	s5 =	simm.s32 @!p2 $0x0  }
0x1d: {  	s5 =	simm.s32 @p1 $0x1;
	p0 =	seq.s32 s7, s2  }
0x1e: {  	s7 =	smul.u32 @!p0 $0xF7A, s2;
	p2 =	seq.s32 @!p0 s5, $0x0  }
0x1f: {  	s9 =	smul.u32 $0xF7A, s1;
	s8 =	simm.s32 @!p0 $0x1BF5;
	p2 =	por !p2, p0  }
0x20: {  	[sflag:s8] =	ssyncset.s32 @!p0 $0xFFFFF086;
	s6 =	sadd.s32 @!p0 s3, s7;
	s7 =	simm.s32 @!p0 $0x108  }
0x21: {  	s3 =	sadd.s32 s3, s9;
	s6 =	sadd.s32 @!p0 $0x88, s6;
	s7 =	simm.s32 @p2 $0x1082  }
0x22: {  	[simem:s7], [sflag:s8] =	dma.local @!p0 [hbm:s6], $0xF7A  }
0x23: {  	s9 =	sor.u32 $0xD0000000, s2;
	s6 =	simm.s32 $0x108;
	_ =	swait.ge @!p0 [sflag:s8], $0x0  }
0x24: {  	s3 =	sadd.s32 $0x88, s3;
	s6 =	simm.s32 @!p1 $0x1082;
	[sflag:s4] =	ssyncset.s32 $0xFFFFF086  }
0x25: {  	[simem:s6], [sflag:s4] =	dma.local [hbm:s3], $0xF7A  }
0x26: {  	[smem:$0x3F9F] =	sst s1;
	(tag) =	ssettag s2;
	_ =	strace s9  }
0x27: {  	s1 =	sld [smem:$0x3FAF]  }
0x28: {  	s2 =	sld [smem:$0x3FB0]  }
0x29: {  	s4 =	sld [smem:$0x3FB2]  }
0x2a: {  	p0 =	seq.s32 s5, $0x0;
	s5 =	sld [smem:$0x3FB3]  }
0x2b: {  	s6 =	sld [smem:$0x3FB4]  }
0x2c: {  	s7 =	sld [smem:$0x3FB5]  }
0x2d: {  	s3 =	simm.s32 $0x108;
	s8 =	sld [smem:$0x3FB6]  }
0x2e: {  	s3 =	simm.s32 @!p0 $0x1082;
	s9 =	sld [smem:$0x3FB7]  }
0x2f: {  	lr =	sadd.s32 s0, s3;
	s0 =	sld [smem:$0x3FAE]  }
0x30: {  	s3 =	sld [smem:$0x3FB1]  }
0x31: {  	[smem:$0x3FBA] =	sst s10  }
0x32: {  	s10 =	sld [smem:$0x3FB8];
	_ =	sdelay $0x3  }
0x33: {  	p0 =	seq.s32 s10, $0x1;
	s10 =	sld [smem:$0x3FBA];
	_ =	sdelay $0x3  }
0x34: {  	[smem:$0x3FBA] =	sst s10  }
0x35: {  	s10 =	sld [smem:$0x3FB9];
	_ =	sdelay $0x3  }
0x36: {  	p1 =	seq.s32 s10, $0x1;
	s10 =	sld [smem:$0x3FBA];
	_ =	sdelay $0x3  }
0x37: {  	[smem:$0x3FBA] =	sst s10  }
0x38: {  	s10 =	sld [smem:$0x3FBB]  }
0x39: {  	_ = 	snop;
	(pc) =	sbr.ind lr, $3  }
0x3a: {  	_ = 	snop  }
0x3b: {  	_ = 	snop  }
0x3c: {  	p2 =	seq.s32 s10, $0x1;
	s10 =	sld [smem:$0x3FBA]  }
0x3d: {  	_ =	shalt  }
0x3e: {  	_ =	shalt  }
0x3f: {  	_ =	shalt  }
0x40: {  	_ =	shalt  }
0x41: {  	_ =	shalt  }
0x42: {  	_ =	shalt  }
0x43: {  	_ =	shalt  }
0x44: {  	_ =	shalt  }
0x45: {  	_ =	shalt  }
0x46: {  	_ =	shalt  }
0x47: {  	_ =	shalt  }
0x48: {  	_ =	shalt  }
0x49: {  	_ =	shalt  }
0x4a: {  	_ =	shalt  }
0x4b: {  	_ =	shalt  }
0x4c: {  	_ =	shalt  }
0x4d: {  	_ =	shalt  }
0x4e: {  	_ =	shalt  }
0x4f: {  	_ =	shalt  }
0x50: {  	_ =	shalt  }
0x51: {  	_ =	shalt  }
0x52: {  	_ =	shalt  }
0x53: {  	_ =	shalt  }
0x54: {  	_ =	shalt  }
0x55: {  	_ =	shalt  }
0x56: {  	_ =	shalt  }
0x57: {  	_ =	shalt  }
0x58: {  	_ =	shalt  }
0x59: {  	_ =	shalt  }
0x5a: {  	_ =	shalt  }
0x5b: {  	_ =	shalt  }
0x5c: {  	_ =	shalt  }
0x5d: {  	_ =	shalt  }
0x5e: {  	_ =	shalt  }
0x5f: {  	_ =	shalt  }
0x60: {  	_ =	shalt  }
0x61: {  	_ =	shalt  }
0x62: {  	_ =	shalt  }
0x63: {  	_ =	shalt  }
0x64: {  	_ =	shalt  }
0x65: {  	_ =	shalt  }
0x66: {  	_ =	shalt  }
0x67: {  	_ =	shalt  }
0x68: {  	_ =	shalt  }
0x69: {  	_ =	shalt  }
0x6a: {  	_ =	shalt  }
0x6b: {  	_ =	shalt  }
0x6c: {  	_ =	shalt  }
0x6d: {  	_ =	shalt  }
0x6e: {  	_ =	shalt  }
0x6f: {  	_ =	shalt  }
0x70: {  	_ =	shalt  }
0x71: {  	_ =	shalt  }
0x72: {  	_ =	shalt  }
0x73: {  	_ =	shalt  }
0x74: {  	_ =	shalt  }
0x75: {  	_ =	shalt  }
0x76: {  	_ =	shalt  }
0x77: {  	_ =	shalt  }
0x78: {  	_ =	shalt  }
0x79: {  	_ =	shalt  }
0x7a: {  	_ =	shalt  }
0x7b: {  	_ =	shalt  }
0x7c: {  	_ =	shalt  }
0x7d: {  	_ =	shalt  }
0x7e: {  	_ =	shalt  }
0x7f: {  	_ =	shalt  }
0x80: {  	_ =	shalt  }
0x81: {  	_ =	shalt  }
0x82: {  	_ =	shalt  }
0x83: {  	_ =	shalt  }
0x84: {  	_ =	shalt  }
0x85: {  	_ =	shalt  }
0x86: {  	_ =	shalt  }
0x87: {  	_ =	shalt  }
.Lfunc_end0:
.L_simem_size_0:
called_computation.1_lowered:
.L_overlay_start_0:
0x88: {  	s2 =	sld [smem:$0x3FD9]  }
0x89: {  	s3 =	sld [smem:$0x3FFE];
	_ =	sdelay $0x1  }
0x8a: {  	s1 =	srdreg.scid  }
0x8b: {  	s0 =	sand.u32 $0x1, s1  }
0x8c: {  	s17 =	sshll.u32 s0, $0xA;
	s2 =	sadd.s32 s3, s2  }
0x8d: {  	s2 =	sadd.s32 s2, s17  }
0x8e: {  	[smem:$0x3FC6] =	sst s2  }
0x8f: {  	_ = 	snop  }
0x90: {  	s2 =	sld [smem:$0x3FD0];
	(tm) =	ssettm $0x1  }
0x91: {  	s18 =	sld [smem:$0x3FFB];
	_ =	sdelay $0x3  }
0x92: {  	_ =	strace s18  }
0x93: {  	s3 =	sld [smem:$0x3FFC];
	_ =	sdelay $0x3  }
0x94: {  	_ =	strace s3  }
0x95: {  	s3 =	sld [smem:$0x3FFD];
	_ =	sdelay $0x3  }
0x96: {  	_ =	strace s3  }
0x97: {  	_ =	strace $0x8FFFFFFF  }
0x98: {  	s19 =	sld [smem:$0x3FDB];
	_ =	sdelay $0x1  }
0x99: {  	s4 =	simm.s32 $_scs_section_size  }
0x9a: {  	s5 =	simm.s32 $_size__tile_overlayer_lowered;
	s6 =	simm.s32 $_tile_overlayer_lowered  }
0x9b: {  	s22 =	simm.s32 $0x1BFF;
	s21 =	sshll.u32 s6, $0x1;
	s3 =	sadd.s32 s4, s19  }
0x9c: {  	s7 =	simm.s32 $0x0;
	s20 =	sshll.u32 s5, $0x1;
	s5 =	sadd.s32 s21, s3  }
0x9d: {  	[timem:s7], [sflag:s22] =	dma.local [hbm:s5], s20  }
0x9e: {  	_ =	swait.ge [sflag:s22], s20  }
0x9f: {  	s4 =	ssub.s32 $0x0, s20;
	[sflag:s22] =	ssyncset.done $0x0  }
0xa0: {  	[sflag:s22] =	ssyncadd.s32 s4;
	_ =	sdelay $0x1  }
0xa1: {  	s23 =	simm.s32 $0x1B8B  }
0xa2: {  	_ =	swait.ge [sflag:s23], $0x1  }
0xa3: {  	[sflag:s23] =	ssyncset.done $0x0  }
0xa4: {  	s25 =	simm.s32 $0x1B8E;
	s24 =	sld [smem:$0x3FFE];
	[sflag:s23] =	ssyncadd.s32 $0xFFFFFFFF  }
0xa5: {  	s26 =	simm.s32 $execute0_lowered;
	[smem:$0x3FD2] =	sst s25  }
0xa6: {  	s5 =	sshll.u32 s26, $0x1;
	_ =	strace $0x80000046;
	[dreg:$0x1] =	wrdreg $0xFFFFFFFF  }
0xa7: {  	s28 =	simm.s32 $_size_execute0_lowered;
	s3 =	sadd.s32 s3, s5;
	[dreg:$0x0] =	wrdreg $0x0  }
0xa8: {  	s5 =	sshll.u32 s28, $0x1;
	[dreg:$0x2] =	wrdreg s3  }
0xa9: {  	[dreg:$0x3] =	wrdreg s5  }
0xaa: {  	[dreg:$0x4] =	wrdreg $0xC0  }
0xab: {  	_ =	task [dreg:s7], $0x5FFFF  }
0xac: {  	[dreg:$0x1] =	wrdreg $0xFFFFFFFF  }
0xad: {  	[dreg:$0x0] =	wrdreg $0x60  }
0xae: {  	[dreg:$0x2] =	wrdreg s24  }
0xaf: {  	[dreg:$0x3] =	wrdreg s2  }
0xb0: {  	[dreg:$0x4] =	wrdreg $0x9  }
0xb1: {  	_ =	task.clear_ibuf [dreg:s7], $0x5FFFF;
	_ =	strace $0x90000046  }
0xb2: {  	s29 =	simm.s32 $0x9;
	_ =	strace $0x80000048  }
0xb3: {  	_ =	swait.ge [sflag:s29], $0x1  }
0xb4: {  	[sflag:s29] =	ssyncadd.s32 $0xFFFFFFFF  }
0xb5: {  	_ =	strace $0x90000048  }
0xb6: {  	_ =	sfence  }
0xb7: {  	s30 =	sld [smem:$0x0];
	_ =	sdelay $0x2  }
0xb8: {  	s31 =	sshll.u32 s1, $0xD;
	s1 =	sshrl.u32 s1, $0x2  }
0xb9: {  	s3 =	sand.u32 $0x4000, s31;
	s1 =	sadd.s32 s1, s30  }
0xba: {  	s0 =	sor.u32 s3, s0;
	s1 =	sshll.u32 s1, $0x11  }
0xbb: {  	s0 =	sor.u32 s1, s0  }
0xbc: {  	s0 =	sadd.s32 $0x8F2B, s0  }
0xbd: {  	[sflag:s0] =	ssyncadd.remote.s32 $0x1  }
0xbe: {  	_ =	sfence.sel $0xFFFF  }
0xbf: {  	[dreg:$0x0] =	wrdreg $0xFFFFFFFF;
	(pc) =	sbr.abs _section_cstart, $3  }
0xc0: {  	[dreg:$0x1] =	wrdreg $0xFFFFFFFF  }
0xc1: {  	_ =	task.clear_ibuf [dreg:s7], $0x2FFFF;
	_ =	strace $0x9FFFFFFF  }
0xc2: {  	(tm) =	ssettm $0x7FFFFFFF  }
0xc3: {  	_ =	shalt  }
tec
execute0_lowered:
.L_overlay_start_1:
0x0: {  	(tag) =	ssettag $0x1  }
0x1: {  	s1 =	srdreg.scid;
	s3 =	rddreg [dreg:$0x0]  }
0x2: {  	s0 =	stileid.u32;
	s5 =	rddreg [dreg:$0x1]  }
0x3: {  	s31 =	simm.s32 $0x7;
	s10 =	simm.s32 $0x400;
	s14 =	simm.s32 $0xB400  }
0x4: {  	s8 =	simm.s32 $0x1;
	s30 =	simm.s32 $0x800;
	s11 =	simm.s32 $0x13400  }
0x5: {  	s16 =	simm.s32 $0x2;
	s29 =	simm.s32 $0xC00;
	s15 =	simm.s32 $0x3  }
0x6: {  	s28 =	simm.s32 $0x1000;
	s1 =	sand.u32 $0x1, s1;
	s2 =	sshll.u32 s0, $0x1  }
0x7: {  	s12 =	simm.s32 $0x6;
	p0 =	por $0x0, $0x0;
	s4 =	sor.u32 s1, s2  }
0x8: {  	s2 =	simm.s32 $0x0;
	s1 =	ssub.s32 $0x2, s1;
	s6 =	smul.u32 $0x680, s4  }
0x9: {  	s7 =	smul.u32 $0x68000, s4;
	[smem:$0x7FF] =	sst s2;
	s25 =	sshrl.u32 s1, $0x1  }
0xa: {  	s4 =	smul.u32 $0xD000, s4;
	_ =	strace $0x80000047;
	s1 =	ssub.s32 s1, s25  }
0xb: {  	s25 =	simm.s32 $0x1800;
	s6 =	sadd.s32 s6, s3;
	s7 =	sshrl.u32 s7, $0x3  }
0xc: {  	s4 =	sadd.s32 s5, s4;
	s3 =	sadd.s32 $0xF42E00, s3;
	s1 =	smax.u32 s1, $0x1  }
0xd: {  	s6 =	sadd.s32 $0xA00, s6;
	s18 =	sadd.s32 s5, s7;
	[dreg:$0x4] =	wrdreg s4  }
0xe: {  	s7 =	simm.s32 $0x4;
	p1 =	sne.s32 s1, $0x1;
	s1 =	sadd.s32 $0xFFFFFFFF, s1  }
0xf: {  	[dreg:$0x3] =	wrdreg s6;
	s19 =	sadd.s32 $0x1000, s18;
	s20 =	sadd.s32 $0x2000, s18  }
0x10: {  	s21 =	sadd.s32 $0x3000, s18;
	s22 =	sadd.s32 $0x4000, s18;
	[dreg:$0x5] =	wrdreg s19  }
0x11: {  	s23 =	sadd.s32 $0x5000, s18;
	s24 =	sadd.s32 $0x6000, s18;
	[dreg:$0x6] =	wrdreg s20  }
0x12: {  	s26 =	sadd.s32 $0x7000, s18;
	s17 =	sadd.s32 $0x8000, s18;
	[dreg:$0x7] =	wrdreg s21  }
0x13: {  	s13 =	sadd.s32 $0x9000, s18;
	s9 =	sadd.s32 $0xA000, s18;
	[dreg:$0x8] =	wrdreg s22  }
.Ltmp0:
0x14: {  	s5 =	sadd.s32 $0xB000, s18;
	[dreg:$0x9] =	wrdreg s23;
	(pc) =	sbr.rel @!p1 .LBB2_3-.Ltmp0, $4  }
0x15: {  	s4 =	sadd.s32 $0xC000, s18;
	s6 =	simm.s32 $0x3400;
	[dreg:$0xa] =	wrdreg s24  }
0x16: {  	s18 =	simm.s32 $0x3000;
	[dreg:$0xb] =	wrdreg s26;
	s19 =	simm.s32 $0x5  }
0x17: {  	s26 =	simm.s32 $0x1400;
	s24 =	simm.s32 $0x1C00;
	s23 =	simm.s32 $0x2000  }
0x18: {  	s22 =	simm.s32 $0x2400;
	s21 =	simm.s32 $0x2800;
	s20 =	simm.s32 $0x2C00  }
0x19: {  	s0 =	rddreg [dreg:$0x3]  }
0x1a: {  	[tilespmem:s2], [sflag:$0x7] =	stream.linear.gather [hbm4b:s0+s2], $0x3400, $0x38;
	[tilespmem:$0x1B400] =	vst v63  }
0x1b: {  	_ =	swait.ge [sflag:s31], $0x3400  }
0x1c: {  	[sflag:s31] =	ssyncset.done $0x0  }
0x1d: {  	[sflag:s31] =	ssyncadd.s32 $0xFFFFCC00  }
0x1e: {  	[tilespmem:s6], [sflag:$0x1] =	stream.indirect.gather [hbm4b:s3+s10], $0x20, s2, s10, $0xb8;
	[tilespmem:$0x1B400] =	vst v63  }
0x1f: {  	_ = 	snop  }
0x20: {  	[tilespmem:s14], [sflag:$0x2] =	stream.indirect.gather [hbm4b:s3+s10], $0x20, s10, s10, $0xb8;
	[tilespmem:$0x1B400] =	vst v63  }
0x21: {  	_ =	swait.ge [sflag:s8], $0x8000  }
0x22: {  	[sflag:s8] =	ssyncset.done $0x0  }
0x23: {  	s0 =	rddreg [dreg:$0x4];
	[sflag:s8] =	ssyncadd.s32 $0xFFFF8000  }
0x24: {  	[hbm4b:s0+s2] =	stream.linear.scatter [tilespmem:s6], [sflag:$0x4], $0x8000, $0x38;
	[tilespmem:$0x1B400] =	vst v63  }
0x25: {  	_ = 	snop  }
0x26: {  	[tilespmem:s11], [sflag:$0x3] =	stream.indirect.gather [hbm4b:s3+s10], $0x20, s30, s10, $0xb8;
	[tilespmem:$0x1B400] =	vst v63  }
0x27: {  	_ =	swait.ge [sflag:s16], $0x8000  }
0x28: {  	[sflag:s16] =	ssyncset.done $0x0  }
0x29: {  	s0 =	rddreg [dreg:$0x5];
	[sflag:s16] =	ssyncadd.s32 $0xFFFF8000  }
0x2a: {  	[hbm4b:s0+s2] =	stream.linear.scatter [tilespmem:s14], [sflag:$0x5], $0x8000, $0x38;
	[tilespmem:$0x1B400] =	vst v63  }
0x2b: {  	_ =	swait.ge [sflag:s7], $0x8000  }
0x2c: {  	[sflag:s7] =	ssyncset.done $0x0  }
0x2d: {  	[sflag:s7] =	ssyncadd.s32 $0xFFFF8000  }
0x2e: {  	[tilespmem:s6], [sflag:$0x1] =	stream.indirect.gather [hbm4b:s3+s10], $0x20, s29, s10, $0xb8;
	[tilespmem:$0x1B400] =	vst v63  }
0x2f: {  	_ =	swait.ge [sflag:s15], $0x8000  }
0x30: {  	[sflag:s15] =	ssyncset.done $0x0  }
0x31: {  	s0 =	rddreg [dreg:$0x6];
	[sflag:s15] =	ssyncadd.s32 $0xFFFF8000  }
0x32: {  	[hbm4b:s0+s2] =	stream.linear.scatter [tilespmem:s11], [sflag:$0x6], $0x8000, $0x38;
	[tilespmem:$0x1B400] =	vst v63  }
0x33: {  	_ =	swait.ge [sflag:s19], $0x8000  }
0x34: {  	[sflag:s19] =	ssyncset.done $0x0  }
0x35: {  	[sflag:s19] =	ssyncadd.s32 $0xFFFF8000  }
0x36: {  	[tilespmem:s14], [sflag:$0x2] =	stream.indirect.gather [hbm4b:s3+s10], $0x20, s28, s10, $0xb8;
	[tilespmem:$0x1B400] =	vst v63  }
0x37: {  	_ =	swait.ge [sflag:s8], $0x8000  }
0x38: {  	[sflag:s8] =	ssyncset.done $0x0  }
0x39: {  	s0 =	rddreg [dreg:$0x7];
	[sflag:s8] =	ssyncadd.s32 $0xFFFF8000  }
0x3a: {  	[hbm4b:s0+s2] =	stream.linear.scatter [tilespmem:s6], [sflag:$0x4], $0x8000, $0x38;
	[tilespmem:$0x1B400] =	vst v63  }
0x3b: {  	_ =	swait.ge [sflag:s12], $0x8000  }
0x3c: {  	[sflag:s12] =	ssyncset.done $0x0  }
0x3d: {  	[sflag:s12] =	ssyncadd.s32 $0xFFFF8000  }
0x3e: {  	[tilespmem:s11], [sflag:$0x3] =	stream.indirect.gather [hbm4b:s3+s10], $0x20, s26, s10, $0xb8;
	[tilespmem:$0x1B400] =	vst v63  }
0x3f: {  	_ =	swait.ge [sflag:s16], $0x8000  }
0x40: {  	[sflag:s16] =	ssyncset.done $0x0  }
0x41: {  	s0 =	rddreg [dreg:$0x8];
	[sflag:s16] =	ssyncadd.s32 $0xFFFF8000  }
0x42: {  	[hbm4b:s0+s2] =	stream.linear.scatter [tilespmem:s14], [sflag:$0x5], $0x8000, $0x38;
	[tilespmem:$0x1B400] =	vst v63  }
0x43: {  	_ =	swait.ge [sflag:s7], $0x8000  }
0x44: {  	[sflag:s7] =	ssyncset.done $0x0  }
0x45: {  	[sflag:s7] =	ssyncadd.s32 $0xFFFF8000  }
0x46: {  	[tilespmem:s6], [sflag:$0x1] =	stream.indirect.gather [hbm4b:s3+s10], $0x20, s25, s10, $0xb8;
	[tilespmem:$0x1B400] =	vst v63  }
0x47: {  	_ =	swait.ge [sflag:s15], $0x8000  }
0x48: {  	[sflag:s15] =	ssyncset.done $0x0  }
0x49: {  	s0 =	rddreg [dreg:$0x9];
	[sflag:s15] =	ssyncadd.s32 $0xFFFF8000  }
0x4a: {  	[hbm4b:s0+s2] =	stream.linear.scatter [tilespmem:s11], [sflag:$0x6], $0x8000, $0x38;
	[tilespmem:$0x1B400] =	vst v63  }
0x4b: {  	_ =	swait.ge [sflag:s19], $0x8000  }
0x4c: {  	[sflag:s19] =	ssyncset.done $0x0  }
0x4d: {  	[sflag:s19] =	ssyncadd.s32 $0xFFFF8000  }
0x4e: {  	[tilespmem:s14], [sflag:$0x2] =	stream.indirect.gather [hbm4b:s3+s10], $0x20, s24, s10, $0xb8;
	[tilespmem:$0x1B400] =	vst v63  }
0x4f: {  	_ =	swait.ge [sflag:s8], $0x8000  }
0x50: {  	[sflag:s8] =	ssyncset.done $0x0  }
0x51: {  	s0 =	rddreg [dreg:$0xa];
	[sflag:s8] =	ssyncadd.s32 $0xFFFF8000  }
0x52: {  	[hbm4b:s0+s2] =	stream.linear.scatter [tilespmem:s6], [sflag:$0x4], $0x8000, $0x38;
	[tilespmem:$0x1B400] =	vst v63  }
0x53: {  	_ =	swait.ge [sflag:s12], $0x8000  }
0x54: {  	[sflag:s12] =	ssyncset.done $0x0  }
0x55: {  	[sflag:s12] =	ssyncadd.s32 $0xFFFF8000  }
0x56: {  	[tilespmem:s11], [sflag:$0x3] =	stream.indirect.gather [hbm4b:s3+s10], $0x20, s23, s10, $0xb8;
	[tilespmem:$0x1B400] =	vst v63  }
0x57: {  	_ =	swait.ge [sflag:s16], $0x8000  }
0x58: {  	[sflag:s16] =	ssyncset.done $0x0  }
0x59: {  	s0 =	rddreg [dreg:$0xb];
	[sflag:s16] =	ssyncadd.s32 $0xFFFF8000  }
0x5a: {  	[hbm4b:s0+s2] =	stream.linear.scatter [tilespmem:s14], [sflag:$0x5], $0x8000, $0x38;
	[tilespmem:$0x1B400] =	vst v63  }
0x5b: {  	_ =	swait.ge [sflag:s7], $0x8000  }
0x5c: {  	[sflag:s7] =	ssyncset.done $0x0  }
0x5d: {  	[sflag:s7] =	ssyncadd.s32 $0xFFFF8000  }
0x5e: {  	[tilespmem:s6], [sflag:$0x1] =	stream.indirect.gather [hbm4b:s3+s10], $0x20, s22, s10, $0xb8;
	[tilespmem:$0x1B400] =	vst v63  }
0x5f: {  	_ =	swait.ge [sflag:s15], $0x8000  }
0x60: {  	[sflag:s15] =	ssyncset.done $0x0  }
0x61: {  	[sflag:s15] =	ssyncadd.s32 $0xFFFF8000  }
0x62: {  	[hbm4b:s17+s2] =	stream.linear.scatter [tilespmem:s11], [sflag:$0x6], $0x8000, $0x38;
	[tilespmem:$0x1B400] =	vst v63  }
0x63: {  	_ =	swait.ge [sflag:s19], $0x8000  }
0x64: {  	[sflag:s19] =	ssyncset.done $0x0  }
0x65: {  	[sflag:s19] =	ssyncadd.s32 $0xFFFF8000  }
0x66: {  	[tilespmem:s14], [sflag:$0x2] =	stream.indirect.gather [hbm4b:s3+s10], $0x20, s21, s10, $0xb8;
	[tilespmem:$0x1B400] =	vst v63  }
0x67: {  	_ =	swait.ge [sflag:s8], $0x8000  }
0x68: {  	[sflag:s8] =	ssyncset.done $0x0  }
0x69: {  	[sflag:s8] =	ssyncadd.s32 $0xFFFF8000  }
0x6a: {  	[hbm4b:s13+s2] =	stream.linear.scatter [tilespmem:s6], [sflag:$0x4], $0x8000, $0x38;
	[tilespmem:$0x1B400] =	vst v63  }
0x6b: {  	_ =	swait.ge [sflag:s12], $0x8000  }
0x6c: {  	[sflag:s12] =	ssyncset.done $0x0  }
0x6d: {  	[sflag:s12] =	ssyncadd.s32 $0xFFFF8000  }
0x6e: {  	[tilespmem:s11], [sflag:$0x3] =	stream.indirect.gather [hbm4b:s3+s10], $0x20, s20, s10, $0xb8;
	[tilespmem:$0x1B400] =	vst v63  }
0x6f: {  	_ =	swait.ge [sflag:s16], $0x8000  }
0x70: {  	[sflag:s16] =	ssyncset.done $0x0  }
0x71: {  	[sflag:s16] =	ssyncadd.s32 $0xFFFF8000  }
0x72: {  	[hbm4b:s9+s2] =	stream.linear.scatter [tilespmem:s14], [sflag:$0x5], $0x8000, $0x38;
	[tilespmem:$0x1B400] =	vst v63  }
0x73: {  	_ =	swait.ge [sflag:s7], $0x8000  }
0x74: {  	[sflag:s7] =	ssyncset.done $0x0  }
0x75: {  	[sflag:s7] =	ssyncadd.s32 $0xFFFF8000  }
0x76: {  	[tilespmem:s6], [sflag:$0x1] =	stream.indirect.gather [hbm4b:s3+s10], $0x20, s18, s10, $0xb8;
	[tilespmem:$0x1B400] =	vst v63  }
0x77: {  	_ =	swait.ge [sflag:s15], $0x8000  }
0x78: {  	[sflag:s15] =	ssyncset.done $0x0  }
0x79: {  	[sflag:s15] =	ssyncadd.s32 $0xFFFF8000  }
0x7a: {  	[hbm4b:s5+s2] =	stream.linear.scatter [tilespmem:s11], [sflag:$0x6], $0x8000, $0x38;
	[tilespmem:$0x1B400] =	vst v63  }
0x7b: {  	_ =	swait.ge [sflag:s8], $0x8000  }
0x7c: {  	[sflag:s8] =	ssyncset.done $0x0  }
0x7d: {  	p1 =	sne.s32 s1, $0x1;
	[sflag:s8] =	ssyncadd.s32 $0xFFFF8000  }
0x7e: {  	[hbm4b:s4+s2] =	stream.linear.scatter [tilespmem:s6], [sflag:$0x4], $0x8000, $0x38;
	[tilespmem:$0x1B400] =	vst v63  }
.Ltmp1:
0x7f: {  	_ =	swait.ge [sflag:s12], $0x8000;
	(pc) =	sbr.rel @!p1 .LBB2_3-.Ltmp1, $4  }
0x80: {  	[sflag:s12] =	ssyncset.done $0x0  }
0x81: {  	[sflag:s12] =	ssyncadd.s32 $0xFFFF8000  }
0x82: {  	_ =	swait.ge [sflag:s7], $0x8000  }
0x83: {  	s1 =	sadd.s32 $0xFFFFFFFF, s1;
	p0 =	por $0x1, $0x1;
	[sflag:s7] =	ssyncset.done $0x0  }
.LBB2_2:
0x84: {  	s0 =	rddreg [dreg:$0x3];
	[sflag:s7] =	ssyncadd.s32 $0xFFFF8000  }
0x85: {  	[tilespmem:s2], [sflag:$0x7] =	stream.linear.gather [hbm4b:s0+s2], $0x3400, $0x38;
	[tilespmem:$0x1B400] =	vst v63  }
0x86: {  	_ =	swait.ge [sflag:s31], $0x3400  }
0x87: {  	[sflag:s31] =	ssyncset.done $0x0  }
0x88: {  	[sflag:s31] =	ssyncadd.s32 $0xFFFFCC00  }
0x89: {  	[tilespmem:s6], [sflag:$0x1] =	stream.indirect.gather [hbm4b:s3+s10], $0x20, s2, s10, $0xb8;
	[tilespmem:$0x1B400] =	vst v63  }
0x8a: {  	_ = 	snop  }
0x8b: {  	[tilespmem:s14], [sflag:$0x2] =	stream.indirect.gather [hbm4b:s3+s10], $0x20, s10, s10, $0xb8;
	[tilespmem:$0x1B400] =	vst v63  }
0x8c: {  	_ =	swait.ge [sflag:s8], $0x8000  }
0x8d: {  	[sflag:s8] =	ssyncset.done $0x0  }
0x8e: {  	s0 =	rddreg [dreg:$0x4];
	[sflag:s8] =	ssyncadd.s32 $0xFFFF8000  }
0x8f: {  	[hbm4b:s0+s2] =	stream.linear.scatter [tilespmem:s6], [sflag:$0x4], $0x8000, $0x38;
	[tilespmem:$0x1B400] =	vst v63  }
0x90: {  	_ = 	snop  }
0x91: {  	[tilespmem:s11], [sflag:$0x3] =	stream.indirect.gather [hbm4b:s3+s10], $0x20, s30, s10, $0xb8;
	[tilespmem:$0x1B400] =	vst v63  }
0x92: {  	_ =	swait.ge [sflag:s16], $0x8000  }
0x93: {  	[sflag:s16] =	ssyncset.done $0x0  }
0x94: {  	s0 =	rddreg [dreg:$0x5];
	[sflag:s16] =	ssyncadd.s32 $0xFFFF8000  }
0x95: {  	[hbm4b:s0+s2] =	stream.linear.scatter [tilespmem:s14], [sflag:$0x5], $0x8000, $0x38;
	[tilespmem:$0x1B400] =	vst v63  }
0x96: {  	_ =	swait.ge [sflag:s7], $0x8000  }
0x97: {  	[sflag:s7] =	ssyncset.done $0x0  }
0x98: {  	[sflag:s7] =	ssyncadd.s32 $0xFFFF8000  }
0x99: {  	[tilespmem:s6], [sflag:$0x1] =	stream.indirect.gather [hbm4b:s3+s10], $0x20, s29, s10, $0xb8;
	[tilespmem:$0x1B400] =	vst v63  }
0x9a: {  	_ =	swait.ge [sflag:s15], $0x8000  }
0x9b: {  	[sflag:s15] =	ssyncset.done $0x0  }
0x9c: {  	s0 =	rddreg [dreg:$0x6];
	[sflag:s15] =	ssyncadd.s32 $0xFFFF8000  }
0x9d: {  	[hbm4b:s0+s2] =	stream.linear.scatter [tilespmem:s11], [sflag:$0x6], $0x8000, $0x38;
	[tilespmem:$0x1B400] =	vst v63  }
0x9e: {  	_ =	swait.ge [sflag:s19], $0x8000  }
0x9f: {  	[sflag:s19] =	ssyncset.done $0x0  }
0xa0: {  	[sflag:s19] =	ssyncadd.s32 $0xFFFF8000  }
0xa1: {  	[tilespmem:s14], [sflag:$0x2] =	stream.indirect.gather [hbm4b:s3+s10], $0x20, s28, s10, $0xb8;
	[tilespmem:$0x1B400] =	vst v63  }
0xa2: {  	_ =	swait.ge [sflag:s8], $0x8000  }
0xa3: {  	[sflag:s8] =	ssyncset.done $0x0  }
0xa4: {  	s0 =	rddreg [dreg:$0x7];
	[sflag:s8] =	ssyncadd.s32 $0xFFFF8000  }
0xa5: {  	[hbm4b:s0+s2] =	stream.linear.scatter [tilespmem:s6], [sflag:$0x4], $0x8000, $0x38;
	[tilespmem:$0x1B400] =	vst v63  }
0xa6: {  	_ =	swait.ge [sflag:s12], $0x8000  }
0xa7: {  	[sflag:s12] =	ssyncset.done $0x0  }
0xa8: {  	[sflag:s12] =	ssyncadd.s32 $0xFFFF8000  }
0xa9: {  	[tilespmem:s11], [sflag:$0x3] =	stream.indirect.gather [hbm4b:s3+s10], $0x20, s26, s10, $0xb8;
	[tilespmem:$0x1B400] =	vst v63  }
0xaa: {  	_ =	swait.ge [sflag:s16], $0x8000  }
0xab: {  	[sflag:s16] =	ssyncset.done $0x0  }
0xac: {  	s0 =	rddreg [dreg:$0x8];
	[sflag:s16] =	ssyncadd.s32 $0xFFFF8000  }
0xad: {  	[hbm4b:s0+s2] =	stream.linear.scatter [tilespmem:s14], [sflag:$0x5], $0x8000, $0x38;
	[tilespmem:$0x1B400] =	vst v63  }
0xae: {  	_ =	swait.ge [sflag:s7], $0x8000  }
0xaf: {  	[sflag:s7] =	ssyncset.done $0x0  }
0xb0: {  	[sflag:s7] =	ssyncadd.s32 $0xFFFF8000  }
0xb1: {  	[tilespmem:s6], [sflag:$0x1] =	stream.indirect.gather [hbm4b:s3+s10], $0x20, s25, s10, $0xb8;
	[tilespmem:$0x1B400] =	vst v63  }
0xb2: {  	_ =	swait.ge [sflag:s15], $0x8000  }
0xb3: {  	[sflag:s15] =	ssyncset.done $0x0  }
0xb4: {  	s0 =	rddreg [dreg:$0x9];
	[sflag:s15] =	ssyncadd.s32 $0xFFFF8000  }
0xb5: {  	[hbm4b:s0+s2] =	stream.linear.scatter [tilespmem:s11], [sflag:$0x6], $0x8000, $0x38;
	[tilespmem:$0x1B400] =	vst v63  }
0xb6: {  	_ =	swait.ge [sflag:s19], $0x8000  }
0xb7: {  	[sflag:s19] =	ssyncset.done $0x0  }
0xb8: {  	[sflag:s19] =	ssyncadd.s32 $0xFFFF8000  }
0xb9: {  	[tilespmem:s14], [sflag:$0x2] =	stream.indirect.gather [hbm4b:s3+s10], $0x20, s24, s10, $0xb8;
	[tilespmem:$0x1B400] =	vst v63  }
0xba: {  	_ =	swait.ge [sflag:s8], $0x8000  }
0xbb: {  	[sflag:s8] =	ssyncset.done $0x0  }
0xbc: {  	s0 =	rddreg [dreg:$0xa];
	[sflag:s8] =	ssyncadd.s32 $0xFFFF8000  }
0xbd: {  	[hbm4b:s0+s2] =	stream.linear.scatter [tilespmem:s6], [sflag:$0x4], $0x8000, $0x38;
	[tilespmem:$0x1B400] =	vst v63  }
0xbe: {  	_ =	swait.ge [sflag:s12], $0x8000  }
0xbf: {  	[sflag:s12] =	ssyncset.done $0x0  }
0xc0: {  	[sflag:s12] =	ssyncadd.s32 $0xFFFF8000  }
0xc1: {  	[tilespmem:s11], [sflag:$0x3] =	stream.indirect.gather [hbm4b:s3+s10], $0x20, s23, s10, $0xb8;
	[tilespmem:$0x1B400] =	vst v63  }
0xc2: {  	_ =	swait.ge [sflag:s16], $0x8000  }
0xc3: {  	[sflag:s16] =	ssyncset.done $0x0  }
0xc4: {  	s0 =	rddreg [dreg:$0xb];
	[sflag:s16] =	ssyncadd.s32 $0xFFFF8000  }
0xc5: {  	[hbm4b:s0+s2] =	stream.linear.scatter [tilespmem:s14], [sflag:$0x5], $0x8000, $0x38;
	[tilespmem:$0x1B400] =	vst v63  }
0xc6: {  	_ =	swait.ge [sflag:s7], $0x8000  }
0xc7: {  	[sflag:s7] =	ssyncset.done $0x0  }
0xc8: {  	[sflag:s7] =	ssyncadd.s32 $0xFFFF8000  }
0xc9: {  	[tilespmem:s6], [sflag:$0x1] =	stream.indirect.gather [hbm4b:s3+s10], $0x20, s22, s10, $0xb8;
	[tilespmem:$0x1B400] =	vst v63  }
0xca: {  	_ =	swait.ge [sflag:s15], $0x8000  }
0xcb: {  	[sflag:s15] =	ssyncset.done $0x0  }
0xcc: {  	[sflag:s15] =	ssyncadd.s32 $0xFFFF8000  }
0xcd: {  	[hbm4b:s17+s2] =	stream.linear.scatter [tilespmem:s11], [sflag:$0x6], $0x8000, $0x38;
	[tilespmem:$0x1B400] =	vst v63  }
0xce: {  	_ =	swait.ge [sflag:s19], $0x8000  }
0xcf: {  	[sflag:s19] =	ssyncset.done $0x0  }
0xd0: {  	[sflag:s19] =	ssyncadd.s32 $0xFFFF8000  }
0xd1: {  	[tilespmem:s14], [sflag:$0x2] =	stream.indirect.gather [hbm4b:s3+s10], $0x20, s21, s10, $0xb8;
	[tilespmem:$0x1B400] =	vst v63  }
0xd2: {  	_ =	swait.ge [sflag:s8], $0x8000  }
0xd3: {  	[sflag:s8] =	ssyncset.done $0x0  }
0xd4: {  	[sflag:s8] =	ssyncadd.s32 $0xFFFF8000  }
0xd5: {  	[hbm4b:s13+s2] =	stream.linear.scatter [tilespmem:s6], [sflag:$0x4], $0x8000, $0x38;
	[tilespmem:$0x1B400] =	vst v63  }
0xd6: {  	_ =	swait.ge [sflag:s12], $0x8000  }
0xd7: {  	[sflag:s12] =	ssyncset.done $0x0  }
0xd8: {  	[sflag:s12] =	ssyncadd.s32 $0xFFFF8000  }
0xd9: {  	[tilespmem:s11], [sflag:$0x3] =	stream.indirect.gather [hbm4b:s3+s10], $0x20, s20, s10, $0xb8;
	[tilespmem:$0x1B400] =	vst v63  }
0xda: {  	_ =	swait.ge [sflag:s16], $0x8000  }
0xdb: {  	[sflag:s16] =	ssyncset.done $0x0  }
0xdc: {  	[sflag:s16] =	ssyncadd.s32 $0xFFFF8000  }
0xdd: {  	[hbm4b:s9+s2] =	stream.linear.scatter [tilespmem:s14], [sflag:$0x5], $0x8000, $0x38;
	[tilespmem:$0x1B400] =	vst v63  }
0xde: {  	_ =	swait.ge [sflag:s7], $0x8000  }
0xdf: {  	[sflag:s7] =	ssyncset.done $0x0  }
0xe0: {  	[sflag:s7] =	ssyncadd.s32 $0xFFFF8000  }
0xe1: {  	[tilespmem:s6], [sflag:$0x1] =	stream.indirect.gather [hbm4b:s3+s10], $0x20, s18, s10, $0xb8;
	[tilespmem:$0x1B400] =	vst v63  }
0xe2: {  	_ =	swait.ge [sflag:s15], $0x8000  }
0xe3: {  	[sflag:s15] =	ssyncset.done $0x0  }
0xe4: {  	[sflag:s15] =	ssyncadd.s32 $0xFFFF8000  }
0xe5: {  	[hbm4b:s5+s2] =	stream.linear.scatter [tilespmem:s11], [sflag:$0x6], $0x8000, $0x38;
	[tilespmem:$0x1B400] =	vst v63  }
0xe6: {  	_ =	swait.ge [sflag:s8], $0x8000  }
0xe7: {  	[sflag:s8] =	ssyncset.done $0x0  }
0xe8: {  	p1 =	sne.s32 s1, $0x1;
	[sflag:s8] =	ssyncadd.s32 $0xFFFF8000  }
0xe9: {  	[hbm4b:s4+s2] =	stream.linear.scatter [tilespmem:s6], [sflag:$0x4], $0x8000, $0x38;
	[tilespmem:$0x1B400] =	vst v63  }
.Ltmp2:
0xea: {  	_ =	swait.ge [sflag:s12], $0x8000;
	(pc) =	sbr.rel @p1 .LBB2_2-.Ltmp2, $4  }
0xeb: {  	[sflag:s12] =	ssyncset.done $0x0  }
0xec: {  	[sflag:s12] =	ssyncadd.s32 $0xFFFF8000  }
0xed: {  	_ =	swait.ge [sflag:s7], $0x8000  }
0xee: {  	s1 =	sadd.s32 $0xFFFFFFFF, s1;
	[sflag:s7] =	ssyncset.done $0x0  }
.LBB2_3:
0xef: {  	s0 =	rddreg [dreg:$0x3];
	[sflag:s7] =	ssyncadd.s32 @p0 $0xFFFF8000  }
0xf0: {  	[tilespmem:s2], [sflag:$0x7] =	stream.linear.gather [hbm4b:s0+s2], $0x3400, $0x38;
	[tilespmem:$0x1B400] =	vst v63  }
0xf1: {  	_ =	swait.ge [sflag:s31], $0x3400  }
0xf2: {  	[sflag:s31] =	ssyncset.done $0x0  }
0xf3: {  	[sflag:s31] =	ssyncadd.s32 $0xFFFFCC00  }
0xf4: {  	[tilespmem:s6], [sflag:$0x1] =	stream.indirect.gather [hbm4b:s3+s10], $0x20, s2, s10, $0xb8;
	[tilespmem:$0x1B400] =	vst v63  }
0xf5: {  	_ = 	snop  }
0xf6: {  	[tilespmem:s14], [sflag:$0x2] =	stream.indirect.gather [hbm4b:s3+s10], $0x20, s10, s10, $0xb8;
	[tilespmem:$0x1B400] =	vst v63  }
0xf7: {  	_ =	swait.ge [sflag:s8], $0x8000  }
0xf8: {  	[sflag:s8] =	ssyncset.done $0x0  }
0xf9: {  	s1 =	rddreg [dreg:$0x4];
	[sflag:s8] =	ssyncadd.s32 $0xFFFF8000  }
0xfa: {  	[hbm4b:s1+s2] =	stream.linear.scatter [tilespmem:s6], [sflag:$0x4], $0x8000, $0x38;
	[tilespmem:$0x1B400] =	vst v63  }
0xfb: {  	_ = 	snop  }
0xfc: {  	[tilespmem:s11], [sflag:$0x3] =	stream.indirect.gather [hbm4b:s3+s10], $0x20, s30, s10, $0xb8;
	[tilespmem:$0x1B400] =	vst v63  }
0xfd: {  	_ =	swait.ge [sflag:s16], $0x8000  }
0xfe: {  	[sflag:s16] =	ssyncset.done $0x0  }
0xff: {  	s30 =	rddreg [dreg:$0x5];
	[sflag:s16] =	ssyncadd.s32 $0xFFFF8000  }
0x100: {  	[hbm4b:s30+s2] =	stream.linear.scatter [tilespmem:s14], [sflag:$0x5], $0x8000, $0x38;
	[tilespmem:$0x1B400] =	vst v63  }
0x101: {  	_ =	swait.ge [sflag:s7], $0x8000  }
0x102: {  	[sflag:s7] =	ssyncset.done $0x0  }
0x103: {  	[sflag:s7] =	ssyncadd.s32 $0xFFFF8000  }
0x104: {  	[tilespmem:s6], [sflag:$0x1] =	stream.indirect.gather [hbm4b:s3+s10], $0x20, s29, s10, $0xb8;
	[tilespmem:$0x1B400] =	vst v63  }
0x105: {  	_ =	swait.ge [sflag:s15], $0x8000  }
0x106: {  	[sflag:s15] =	ssyncset.done $0x0  }
0x107: {  	s31 =	rddreg [dreg:$0x6];
	[sflag:s15] =	ssyncadd.s32 $0xFFFF8000  }
0x108: {  	[hbm4b:s31+s2] =	stream.linear.scatter [tilespmem:s11], [sflag:$0x6], $0x8000, $0x38;
	[tilespmem:$0x1B400] =	vst v63  }
0x109: {  	_ =	swait.ge [sflag:s19], $0x8000  }
0x10a: {  	[sflag:s19] =	ssyncset.done $0x0  }
0x10b: {  	[sflag:s19] =	ssyncadd.s32 $0xFFFF8000  }
0x10c: {  	[tilespmem:s14], [sflag:$0x2] =	stream.indirect.gather [hbm4b:s3+s10], $0x20, s28, s10, $0xb8;
	[tilespmem:$0x1B400] =	vst v63  }
0x10d: {  	_ =	swait.ge [sflag:s8], $0x8000  }
0x10e: {  	[sflag:s8] =	ssyncset.done $0x0  }
0x10f: {  	s1 =	rddreg [dreg:$0x7];
	[sflag:s8] =	ssyncadd.s32 $0xFFFF8000  }
0x110: {  	[hbm4b:s1+s2] =	stream.linear.scatter [tilespmem:s6], [sflag:$0x4], $0x8000, $0x38;
	[tilespmem:$0x1B400] =	vst v63  }
0x111: {  	_ =	swait.ge [sflag:s12], $0x8000  }
0x112: {  	[sflag:s12] =	ssyncset.done $0x0  }
0x113: {  	[sflag:s12] =	ssyncadd.s32 $0xFFFF8000  }
0x114: {  	[tilespmem:s11], [sflag:$0x3] =	stream.indirect.gather [hbm4b:s3+s10], $0x20, s26, s10, $0xb8;
	[tilespmem:$0x1B400] =	vst v63  }
0x115: {  	_ =	swait.ge [sflag:s16], $0x8000  }
0x116: {  	[sflag:s16] =	ssyncset.done $0x0  }
0x117: {  	s26 =	rddreg [dreg:$0x8];
	[sflag:s16] =	ssyncadd.s32 $0xFFFF8000  }
0x118: {  	[hbm4b:s26+s2] =	stream.linear.scatter [tilespmem:s14], [sflag:$0x5], $0x8000, $0x38;
	[tilespmem:$0x1B400] =	vst v63  }
0x119: {  	_ =	swait.ge [sflag:s7], $0x8000  }
0x11a: {  	[sflag:s7] =	ssyncset.done $0x0  }
0x11b: {  	[sflag:s7] =	ssyncadd.s32 $0xFFFF8000  }
0x11c: {  	[tilespmem:s6], [sflag:$0x1] =	stream.indirect.gather [hbm4b:s3+s10], $0x20, s25, s10, $0xb8;
	[tilespmem:$0x1B400] =	vst v63  }
0x11d: {  	_ =	swait.ge [sflag:s15], $0x8000  }
0x11e: {  	[sflag:s15] =	ssyncset.done $0x0  }
0x11f: {  	s28 =	rddreg [dreg:$0x9];
	[sflag:s15] =	ssyncadd.s32 $0xFFFF8000  }
0x120: {  	[hbm4b:s28+s2] =	stream.linear.scatter [tilespmem:s11], [sflag:$0x6], $0x8000, $0x38;
	[tilespmem:$0x1B400] =	vst v63  }
0x121: {  	_ =	swait.ge [sflag:s19], $0x8000  }
0x122: {  	[sflag:s19] =	ssyncset.done $0x0  }
0x123: {  	[sflag:s19] =	ssyncadd.s32 $0xFFFF8000  }
0x124: {  	[tilespmem:s14], [sflag:$0x2] =	stream.indirect.gather [hbm4b:s3+s10], $0x20, s24, s10, $0xb8;
	[tilespmem:$0x1B400] =	vst v63  }
0x125: {  	_ =	swait.ge [sflag:s8], $0x8000  }
0x126: {  	[sflag:s8] =	ssyncset.done $0x0  }
0x127: {  	s29 =	rddreg [dreg:$0xa];
	[sflag:s8] =	ssyncadd.s32 $0xFFFF8000  }
0x128: {  	[hbm4b:s29+s2] =	stream.linear.scatter [tilespmem:s6], [sflag:$0x4], $0x8000, $0x38;
	[tilespmem:$0x1B400] =	vst v63  }
0x129: {  	_ =	swait.ge [sflag:s12], $0x8000  }
0x12a: {  	[sflag:s12] =	ssyncset.done $0x0  }
0x12b: {  	[sflag:s12] =	ssyncadd.s32 $0xFFFF8000  }
0x12c: {  	[tilespmem:s11], [sflag:$0x3] =	stream.indirect.gather [hbm4b:s3+s10], $0x20, s23, s10, $0xb8;
	[tilespmem:$0x1B400] =	vst v63  }
0x12d: {  	_ =	swait.ge [sflag:s16], $0x8000  }
0x12e: {  	[sflag:s16] =	ssyncset.done $0x0  }
0x12f: {  	s30 =	rddreg [dreg:$0xb];
	[sflag:s16] =	ssyncadd.s32 $0xFFFF8000  }
0x130: {  	[hbm4b:s30+s2] =	stream.linear.scatter [tilespmem:s14], [sflag:$0x5], $0x8000, $0x38;
	[tilespmem:$0x1B400] =	vst v63  }
0x131: {  	_ =	swait.ge [sflag:s7], $0x8000  }
0x132: {  	[sflag:s7] =	ssyncset.done $0x0  }
0x133: {  	[sflag:s7] =	ssyncadd.s32 $0xFFFF8000  }
0x134: {  	[tilespmem:s6], [sflag:$0x1] =	stream.indirect.gather [hbm4b:s3+s10], $0x20, s22, s10, $0xb8;
	[tilespmem:$0x1B400] =	vst v63  }
0x135: {  	_ =	swait.ge [sflag:s15], $0x8000  }
0x136: {  	[sflag:s15] =	ssyncset.done $0x0  }
0x137: {  	[sflag:s15] =	ssyncadd.s32 $0xFFFF8000  }
0x138: {  	[hbm4b:s17+s2] =	stream.linear.scatter [tilespmem:s11], [sflag:$0x6], $0x8000, $0x38;
	[tilespmem:$0x1B400] =	vst v63  }
0x139: {  	_ =	swait.ge [sflag:s19], $0x8000  }
0x13a: {  	[sflag:s19] =	ssyncset.done $0x0  }
0x13b: {  	[sflag:s19] =	ssyncadd.s32 $0xFFFF8000  }
0x13c: {  	[tilespmem:s14], [sflag:$0x2] =	stream.indirect.gather [hbm4b:s3+s10], $0x20, s21, s10, $0xb8;
	[tilespmem:$0x1B400] =	vst v63  }
0x13d: {  	_ =	swait.ge [sflag:s8], $0x8000  }
0x13e: {  	[sflag:s8] =	ssyncset.done $0x0  }
0x13f: {  	[sflag:s8] =	ssyncadd.s32 $0xFFFF8000  }
0x140: {  	[hbm4b:s13+s2] =	stream.linear.scatter [tilespmem:s6], [sflag:$0x4], $0x8000, $0x38;
	[tilespmem:$0x1B400] =	vst v63  }
0x141: {  	_ =	swait.ge [sflag:s12], $0x8000  }
0x142: {  	[sflag:s12] =	ssyncset.done $0x0  }
0x143: {  	[sflag:s12] =	ssyncadd.s32 $0xFFFF8000  }
0x144: {  	[tilespmem:s11], [sflag:$0x3] =	stream.indirect.gather [hbm4b:s3+s10], $0x20, s20, s10, $0xb8;
	[tilespmem:$0x1B400] =	vst v63  }
0x145: {  	_ =	swait.ge [sflag:s16], $0x8000  }
0x146: {  	[sflag:s16] =	ssyncset.done $0x0  }
0x147: {  	[sflag:s16] =	ssyncadd.s32 $0xFFFF8000  }
0x148: {  	[hbm4b:s9+s2] =	stream.linear.scatter [tilespmem:s14], [sflag:$0x5], $0x8000, $0x38;
	[tilespmem:$0x1B400] =	vst v63  }
0x149: {  	_ =	swait.ge [sflag:s7], $0x8000  }
0x14a: {  	[sflag:s7] =	ssyncset.done $0x0  }
0x14b: {  	[sflag:s7] =	ssyncadd.s32 $0xFFFF8000  }
0x14c: {  	[tilespmem:s6], [sflag:$0x1] =	stream.indirect.gather [hbm4b:s3+s10], $0x20, s18, s10, $0xb8;
	[tilespmem:$0x1B400] =	vst v63  }
0x14d: {  	_ =	swait.ge [sflag:s15], $0x8000  }
0x14e: {  	[sflag:s15] =	ssyncset.done $0x0  }
0x14f: {  	[sflag:s15] =	ssyncadd.s32 $0xFFFF8000  }
0x150: {  	[hbm4b:s5+s2] =	stream.linear.scatter [tilespmem:s11], [sflag:$0x6], $0x8000, $0x38;
	[tilespmem:$0x1B400] =	vst v63  }
0x151: {  	_ =	swait.ge [sflag:s8], $0x8000  }
0x152: {  	[sflag:s8] =	ssyncset.done $0x0  }
0x153: {  	[sflag:s8] =	ssyncadd.s32 $0xFFFF8000  }
0x154: {  	[hbm4b:s4+s2] =	stream.linear.scatter [tilespmem:s6], [sflag:$0x4], $0x8000, $0x38;
	[tilespmem:$0x1B400] =	vst v63  }
0x155: {  	_ =	swait.ge [sflag:s12], $0x8000  }
0x156: {  	[sflag:s12] =	ssyncset.done $0x0  }
0x157: {  	[sflag:s12] =	ssyncadd.s32 $0xFFFF8000  }
0x158: {  	_ =	swait.ge [sflag:s7], $0x8000  }
0x159: {  	[sflag:s7] =	ssyncset.done $0x0  }
0x15a: {  	[sflag:s7] =	ssyncadd.s32 $0xFFFF8000  }
0x15b: {  	_ =	sfence.sel $0x180000  }
0x15c: {  	[bflag:$0x0] =	sbarrier.arrive $0xFFFF  }
0x15d: {  	_ =	strace $0x90000047  }
0x15e: {  	s31 =	stileid.u32;
	[bflag:$0x2] =	sbarrier.arrive $0xFFFF  }
0x15f: {  	p0 =	sne.s32 s31, $0x0;
	s0 =	rddreg [dreg:$0x2]  }
0x160: {  	s0 =	sadd.s32 @!p0 $0x100000, s0  }
0x161: {  	[sflag:s0] =	ssyncadd.tile.s32 @!p0 $0x1;
	_ =	shalt  }
.Lfunc_end2:
_tile_overlayer_lowered:
.L_overlay_start_2:
0x162: {  	(tag) =	ssettag $0x2  }
0x163: {  	s0 =	rddreg [dreg:$0x0];
	s2 =	stileid.u32  }
0x164: {  	s1 =	rddreg [dreg:$0x1];
	p0 =	sne.s32 s2, $0x0  }
0x165: {  	s3 =	rddreg [dreg:$0x2];
	[bflag:$0x3] =	sbarrier.arrive $0xFFFF;
	s2 =	simm.s32 @!p0 $0x1C07  }
0x166: {  	[timem:s3], [sflag:s2] =	dma.local @!p0 [hbm:s0], s1  }
0x167: {  	s0 =	simm.s32 @!p0 $0x7  }
0x168: {  	_ =	swait.ge @!p0 [sflag:s0], s1  }
0x169: {  	s1 =	ssub.s32 @!p0 $0x0, s1;
	[sflag:s0] =	ssyncset.done @!p0 $0x0  }
0x16a: {  	[sflag:s0] =	ssyncadd.s32 @!p0 s1  }
0x16b: {  	[bflag:$0x3] =	sbarrier.arrive $0xFFFF  }
0x16c: {  	_ =	shalt  }

// kernel: sparse-core-data-format-call.cloned.1.call-start
scs
called_computation_lowered:
.L_overlay_start_0:
0x0: {  	s2 =	sld [smem:$0x3FD9]  }
0x1: {  	s3 =	sld [smem:$0x3FFE];
	_ =	sdelay $0x1  }
0x2: {  	s1 =	srdreg.scid  }
0x3: {  	s0 =	sand.u32 $0x1, s1  }
0x4: {  	s18 =	sshll.u32 s0, $0xA;
	s2 =	sadd.s32 s3, s2  }
0x5: {  	s2 =	sadd.s32 s2, s18  }
0x6: {  	[smem:$0x3FC6] =	sst s2  }
0x7: {  	_ = 	snop  }
0x8: {  	s2 =	sld [smem:$0x3FD0];
	(tm) =	ssettm $0x1  }
0x9: {  	s19 =	sld [smem:$0x3FFB];
	_ =	sdelay $0x3  }
0xa: {  	_ =	strace s19  }
0xb: {  	s3 =	sld [smem:$0x3FFC];
	_ =	sdelay $0x3  }
0xc: {  	_ =	strace s3  }
0xd: {  	s3 =	sld [smem:$0x3FFD];
	_ =	sdelay $0x3  }
0xe: {  	_ =	strace s3  }
0xf: {  	_ =	strace $0x8FFFFFFF  }
0x10: {  	s20 =	sld [smem:$0x3FDB];
	_ =	sdelay $0x1  }
0x11: {  	s4 =	simm.s32 $_scs_section_size  }
0x12: {  	s5 =	simm.s32 $_size__tile_overlayer_lowered;
	s6 =	simm.s32 $_tile_overlayer_lowered  }
0x13: {  	s23 =	simm.s32 $0x1BFF;
	s22 =	sshll.u32 s6, $0x1;
	s3 =	sadd.s32 s4, s20  }
0x14: {  	s7 =	simm.s32 $0x0;
	s21 =	sshll.u32 s5, $0x1;
	s5 =	sadd.s32 s22, s3  }
0x15: {  	[timem:s7], [sflag:s23] =	dma.local [hbm:s5], s21  }
0x16: {  	_ =	swait.ge [sflag:s23], s21  }
0x17: {  	s4 =	ssub.s32 $0x0, s21;
	[sflag:s23] =	ssyncset.done $0x0  }
0x18: {  	[sflag:s23] =	ssyncadd.s32 s4;
	_ =	sdelay $0x1  }
0x19: {  	s24 =	simm.s32 $0x1B8B  }
0x1a: {  	_ =	swait.ge [sflag:s24], $0x1  }
0x1b: {  	[sflag:s24] =	ssyncset.done $0x0  }
0x1c: {  	s26 =	simm.s32 $0x1B8E;
	s25 =	sld [smem:$0x3FFE];
	[sflag:s24] =	ssyncadd.s32 $0xFFFFFFFF  }
0x1d: {  	s27 =	simm.s32 $execute0_lowered;
	[smem:$0x3FD2] =	sst s26  }
0x1e: {  	s5 =	sshll.u32 s27, $0x1;
	_ =	strace $0x80000049;
	[dreg:$0x1] =	wrdreg $0xFFFFFFFF  }
0x1f: {  	s28 =	simm.s32 $_size_execute0_lowered;
	s3 =	sadd.s32 s3, s5;
	[dreg:$0x0] =	wrdreg $0x0  }
0x20: {  	s5 =	sshll.u32 s28, $0x1;
	[dreg:$0x2] =	wrdreg s3  }
0x21: {  	[dreg:$0x3] =	wrdreg s5  }
0x22: {  	[dreg:$0x4] =	wrdreg $0xC0  }
0x23: {  	_ =	task [dreg:s7], $0x5FFFF  }
0x24: {  	[dreg:$0x1] =	wrdreg $0xFFFFFFFF  }
0x25: {  	[dreg:$0x0] =	wrdreg $0x60  }
0x26: {  	[dreg:$0x2] =	wrdreg s25  }
0x27: {  	[dreg:$0x3] =	wrdreg s2  }
0x28: {  	[dreg:$0x4] =	wrdreg $0x9  }
0x29: {  	_ =	task.clear_ibuf [dreg:s7], $0x5FFFF;
	_ =	strace $0x90000049  }
0x2a: {  	s29 =	simm.s32 $0x9;
	_ =	strace $0x8000004B  }
0x2b: {  	_ =	swait.ge [sflag:s29], $0x1  }
0x2c: {  	[sflag:s29] =	ssyncadd.s32 $0xFFFFFFFF  }
0x2d: {  	_ =	strace $0x9000004B  }
0x2e: {  	_ =	sfence  }
0x2f: {  	s30 =	sld [smem:$0x0];
	_ =	sdelay $0x2  }
0x30: {  	s31 =	sshll.u32 s1, $0xD;
	s1 =	sshrl.u32 s1, $0x2  }
0x31: {  	s3 =	sand.u32 $0x4000, s31;
	s1 =	sadd.s32 s1, s30  }
0x32: {  	s0 =	sor.u32 s3, s0;
	s1 =	sshll.u32 s1, $0x11  }
0x33: {  	s0 =	sor.u32 s1, s0  }
0x34: {  	s0 =	sadd.s32 $0x8F2B, s0  }
0x35: {  	[sflag:s0] =	ssyncadd.remote.s32 $0x1  }
0x36: {  	_ =	sfence.sel $0xFFFF  }
0x37: {  	[dreg:$0x0] =	wrdreg $0xFFFFFFFF;
	(pc) =	sbr.abs _section_cstart, $3  }
0x38: {  	[dreg:$0x1] =	wrdreg $0xFFFFFFFF  }
0x39: {  	_ =	task.clear_ibuf [dreg:s7], $0x2FFFF;
	_ =	strace $0x9FFFFFFF  }
0x3a: {  	(tm) =	ssettm $0x7FFFFFFF  }
0x3b: {  	_ =	shalt  }
tec
execute0_lowered:
.L_overlay_start_1:
0x0: {  	(tag) =	ssettag $0x1  }
0x1: {  	s0 =	srdreg.scid  }
0x2: {  	s1 =	sshll.u32 s0, $0x4  }
0x3: {  	s6 =	rddreg [dreg:$0x0];
	s0 =	stileid.u32;
	s1 =	sand.u32 $0x10, s1  }
0x4: {  	s3 =	rddreg [dreg:$0x1];
	s1 =	sor.u32 s0, s1  }
0x5: {  	s5 =	simm.s32 $0x1;
	s31 =	simm.s32 $0x2;
	s2 =	sshll.u32 s1, $0x7  }
0x6: {  	s15 =	simm.s32 $0x0;
	s8 =	simm.s32 $0x20000;
	s4 =	ssub.s32 $0x4000, s2  }
0x7: {  	s14 =	simm.s32 $0x0;
	s9 =	simm.s32 $0x0;
	s30 =	sand.u32 $0xF80, s4  }
0x8: {  	s10 =	simm.s32 $0x0;
	s11 =	simm.s32 $0x0;
	p0 =	sne.s32 s30, $0x0  }
.Ltmp0:
0x9: {  	s7 =	sshrl.u32 s4, $0xC;
	s5 =	simm.s32 @!p0 $0x0;
	(pc) =	sbr.rel .LBB1_1-.Ltmp0, $4  }
0xa: {  	s13 =	simm.s32 $0x0;
	s1 =	rddreg [dreg:$0x2];
	s5 =	sadd.s32 s5, s7  }
0xb: {  	_ =	strace $0x8000004A;
	s4 =	simm.s32 $0x1;
	s5 =	smul.u32 $0x7, s5  }
0xc: {  	s6 =	sadd.s32 $0xA00, s6;
	s12 =	smov.u32 s2;
	[sflag:s4] =	ssyncpa.u1 $0x0  }
0xd: {  	[sflag:s31] =	ssyncpa.u1 $0x0;
	p0 =	por $0x0, $0x0;
	s7 =	sadd.s32 $0x1, s5  }
.LBB1_4:
0xe: {  	s20 =	sshra.s32 s20, $0x2  }
0xf: {  	s28 =	sand.u32 $0x78, s10;
	s21 =	sshll.u32 s9, $0xE;
	s22 =	sshll.u32 s10, $0x3  }
0x10: {  	s24 =	sshll.u32 s9, $0x7;
	p1 =	sgt.s32 s9, $0x2C0;
	s30 =	sshra.s32 s9, $0x1F  }
0x11: {  	s26 =	sshra.s32 s10, $0x1F;
	s19 =	sadd.s32 s20, s19;
	s21 =	sand.u32 $0xFFFE0000, s21  }
0x12: {  	v5 =	vld [tilespmem:s17+$0xFFFFFFD0];
	[tilespmem:s18+$0x2040 ss:$0x81] =	vst.msk $0xffff, v4;
	s23 =	sand.u32 $0xFFFFFC00, s22;
	s29 =	sand.u32 $0x380, s24;
	s22 =	sand.u32 $0x3C00, s22  }
0x13: {  	v58 =	vld [tilespmem:s17+$0xFFFFFFE0];
	[tilespmem:s18+$0x2850 ss:$0x81] =	vst.msk $0xffff, v3;
	s21 =	sadd.s32 s23, s21;
	s20 =	sor.u32 s28, s22;
	s22 =	smov.u32 s9  }
0x14: {  	v59 =	vld [tilespmem:s17+$0xFFFFFFF0];
	[tilespmem:s18+$0x3060 ss:$0x81] =	vst.msk $0xffff, v2;
	s24 =	sand.u32 s30, s9;
	s21 =	sshrl.u32 s21, $0xE;
	s22 =	simm.s32 @!p1 $0x2C0  }
0x15: {  	v60 =	vld [tilespmem:s17+$0x0];
	[tilespmem:s18+$0x0 ss:$0x81] =	vst.msk $0xffff, v1;
	p1 =	sgt.s32 s10, $0x3F80;
	s31 =	ssub.s32 s22, s24;
	s22 =	smov.u32 s10  }
0x16: {  	v61 =	vld [tilespmem:s17+$0x10];
	[tilespmem:s19+$0x3870 ss:$0x81] =	vst.msk $0xffff, v0;
	s25 =	smulhi.u32 $0x4EC4ED, s21;
	s24 =	sand.u32 s26, s10;
	s22 =	simm.s32 @!p1 $0x3F80  }
0x17: {  	v62 =	vld [tilespmem:s17+$0x20];
	s20 =	sor.u32 s29, s20;
	[tilespmem:s19+$0x810 ss:$0x81] =	vst.msk $0xffff, v5;
	s27 =	sadd.s32 $0xFFFFFD40, s31;
	s22 =	ssub.s32 s22, s24  }
0x18: {  	v63 =	vld [tilespmem:s17+$0xFFFFFFC0];
	[tilespmem:s19+$0x1020 ss:$0x81] =	vst.msk $0xffff, v58;
	s18 =	ssub.s32 $0x340, s31;
	s28 =	smul.u32 $0x340, s25;
	s29 =	sadd.s32 $0xFFFFC080, s22  }
0x19: {  	[tilespmem:s19+$0x1830 ss:$0x81] =	vst.msk $0xffff, v59;
	p1 =	sgt.s32 s27, $0x7F;
	s22 =	ssub.s32 $0x4000, s22;
	p2 =	sgt.s32 s29, $0x7F  }
0x1a: {  	s30 =	sand.u32 $0x7, s10;
	[tilespmem:s19+$0x2040 ss:$0x81] =	vst.msk $0xffff, v60;
	s18 =	simm.s32 @p1 $0x0;
	s22 =	simm.s32 @p2 $0x0  }
0x1b: {  	s20 =	sshrl.u32 s20, $0x3;
	[tilespmem:s19+$0x2850 ss:$0x81] =	vst.msk $0xffff, v61;
	s17 =	ssub.s32 s21, s28;
	s18 =	smul.u32 s22, s18  }
0x1c: {  	[tilespmem:s19+$0x3060 ss:$0x81] =	vst.msk $0xffff, v62;
	s20 =	sadd.s32 s3, s20;
	s21 =	sshll.u32 s30, $0x12;
	s17 =	sshll.u32 s17, $0xB  }
0x1d: {  	[tilespmem:s19+$0x0 ss:$0x81] =	vst.msk $0xffff, v63;
	s31 =	sor.u32 $0x400, s21;
	s17 =	sadd.s32 s17, s20;
	s18 =	sand.u32 $0x3FFFFFFF, s18  }
0x1e: {  	[hbm4b:s17+s31] =	stream.strided.scatter [tilespmem:s16], [sflag:$0x2], s18, s8, s31, $0x20;
	[tilespmem:$0x10100] =	vst v63  }
.LBB1_5:
0x1f: {  	p1 =	slt.u32 s13, $0x2  }
0x20: {  	s17 =	smov.u32 s15;
	p2 =	sgt.s32 @!p1 s15, $0x2C0;
	s16 =	sshra.s32 @!p1 s15, $0x1F  }
0x21: {  	p3 =	sgt.s32 @!p1 s14, $0x3F80;
	s18 =	sshra.s32 @!p1 s14, $0x1F;
	p2 =	por !p2, p1  }
0x22: {  	s15 =	sand.u32 @!p1 s16, s15;
	p3 =	por !p3, p1;
	s16 =	smov.u32 s14  }
0x23: {  	s14 =	sand.u32 @!p1 s18, s14;
	s17 =	simm.s32 @p2 $0x2C0;
	s16 =	simm.s32 @p3 $0x3F80  }
0x24: {  	s15 =	ssub.s32 @!p1 s17, s15;
	s14 =	ssub.s32 @!p1 s16, s14  }
0x25: {  	s18 =	smov.u32 s12;
	s16 =	sadd.s32 @!p1 $0xFFFFFD40, s15;
	s17 =	sadd.s32 @!p1 $0xFFFFC080, s14  }
0x26: {  	s15 =	ssub.s32 @!p1 $0x340, s15;
	p2 =	sgt.s32 @!p1 s16, $0x7F;
	p3 =	sgt.s32 @!p1 s17, $0x7F  }
0x27: {  	s14 =	ssub.s32 @!p1 $0x4000, s14;
	p2 =	por !p2, p1;
	p3 =	por !p3, p1  }
0x28: {  	s16 =	sadd.s32 $0x80, s11;
	s15 =	simm.s32 @!p2 $0x0;
	s14 =	simm.s32 @!p3 $0x0  }
0x29: {  	p2 =	sgt.s32 s16, $0x33F;
	s14 =	smul.u32 @!p1 s14, s15;
	s15 =	sadd.s32 $0x1000, s12  }
0x2a: {  	s18 =	smov.u32 @p2 s15  }
0x2b: {  	s16 =	simm.s32 @p2 $0x0;
	p2 =	sgt.s32 s18, $0x3FFF  }
0x2c: {  	s18 =	smov.u32 @p2 s2;
	p2 =	sne.s32 s13, s7  }
.Ltmp1:
0x2d: {  	p0 =	por !p0, !p0;
	s17 =	simm.s32 @!p1 $0x2;
	(pc) =	sbr.rel @!p2 .LBB1_6-.Ltmp1, $4  }
0x2e: {  	s15 =	smov.u32 s9;
	s9 =	smov.u32 s11;
	s14 =	sand.u32 @!p1 $0x3FFFFFFF, s14  }
0x2f: {  	s11 =	smov.u32 s16;
	_ =	swait.ge @!p1 [sflag:s17], s14;
	s19 =	ssub.s32 @!p1 $0x0, s14  }
0x30: {  	s14 =	smov.u32 s10;
	s13 =	sadd.s32 $0x1, s13;
	[sflag:s17] =	ssyncset.done @!p1 $0x0  }
0x31: {  	s10 =	smov.u32 s12;
	s12 =	smov.u32 s18;
	[sflag:s17] =	ssyncadd.s32 @!p1 s19  }
.LBB1_1:
0x32: {  	p1 =	sge.u32 s13, s5  }
0x33: {  	s16 =	sshrl.u32 @!p1 s12, $0x3  }
0x34: {  	s17 =	sshll.u32 @!p1 s11, $0x3;
	s16 =	smul.u32 @!p1 $0x1C00, s16  }
0x35: {  	s18 =	sshll.u32 @!p1 s12, $0x7;
	s17 =	sand.u32 @!p1 $0xFFFFFC00, s17  }
0x36: {  	s16 =	sadd.s32 @!p1 s16, s17;
	s17 =	sand.u32 @!p1 $0x380, s18  }
0x37: {  	s16 =	sor.u32 @!p1 s17, s16  }
0x38: {  	s17 =	sshrl.u32 @!p1 s16, $0x7  }
0x39: {  	s17 =	smulhi.u32 @!p1 $0x24924925, s17;
	_ =	sdelay $0x1  }
0x3a: {  	s18 =	sand.u32 @!p1 $0x7F, s11;
	s19 =	smul.u32 @!p1 $0x380, s17  }
0x3b: {  	s31 =	sadd.s32 $0xFFFFFFFF, s13;
	s16 =	sor.u32 @!p1 s18, s16;
	s18 =	sxor.u32 @!p1 $0xFFFFFFFF, s13  }
0x3c: {  	s18 =	sshll.u32 @!p1 s18, $0xE;
	s17 =	sand.u32 @!p1 $0x3FFF, s17;
	s16 =	ssub.s32 @!p1 s16, s19  }
0x3d: {  	s17 =	smul.u32 @!p1 $0x70, s17;
	s19 =	sshrl.u32 @!p1 s16, $0x3;
	s16 =	sand.u32 @!p1 $0x7, s16  }
0x3e: {  	s18 =	sand.u32 @!p1 $0x4000, s18;
	s19 =	sadd.s32 @!p1 s6, s19;
	s16 =	sshll.u32 @!p1 s16, $0x12  }
0x3f: {  	s17 =	sadd.s32 @!p1 s17, s19;
	s16 =	sor.u32 @!p1 $0x400, s16;
	s19 =	simm.s32 @!p1 $0x1C00  }
0x40: {  	[tilespmem:s18], [sflag:$0x1] =	stream.strided.gather @!p1 [hbm4b:s17+s16], $0x4000, s19, s16, $0x38;
	[tilespmem:$0x10100] =	vst v63  }
0x41: {  	p1 =	sge.u32 s31, s5  }
.Ltmp2:
0x42: {  	_ = 	snop;
	(pc) =	sbr.rel @p1 .LBB1_5-.Ltmp2, $1  }
0x43: {  	_ =	sdelay $0x3  }
0x44: {  	s16 =	simm.s32 $0x1  }
0x45: {  	_ =	swait.ge [sflag:s4], $0x4000;
	s16 =	simm.s32 @!p0 $0x0  }
0x46: {  	[sflag:s4] =	ssyncset.done $0x0;
	s17 =	sshll.u32 s16, $0xE  }
0x47: {  	[sflag:s4] =	ssyncadd.s32 $0xFFFFC000;
	s17 =	sor.u32 $0x40, s17  }
0x48: {  	s16 =	smul.u32 $0x10200, s16;
	v0 =	vld [tilespmem:s17+$0x30]  }
0x49: {  	v1 =	vld [tilespmem:s17+$0xFFFFFFD0]  }
0x4a: {  	s16 =	sshrl.u32 s16, $0x2;
	v5 =	vld [tilespmem:s17+$0xFFFFFFE0]  }
0x4b: {  	v6 =	vld [tilespmem:s17+$0xFFFFFFF0];
	s19 =	sor.u32 $0x8000, s16  }
0x4c: {  	s31 =	sand.u32 $0x1, s13;
	v4 =	vld [tilespmem:s17+$0x0];
	s18 =	sadd.s32 $0x0, s19  }
0x4d: {  	v3 =	vld [tilespmem:s17+$0x10];
	s16 =	smul.u32 $0x10200, s31;
	[tilespmem:s18+$0x3870 ss:$0x81] =	vst.msk $0xffff, v0  }
0x4e: {  	v2 =	vld [tilespmem:s17+$0x20];
	[tilespmem:s18+$0x810 ss:$0x81] =	vst.msk $0xffff, v1  }
0x4f: {  	s16 =	sshrl.u32 s16, $0x2;
	v1 =	vld [tilespmem:s17+$0xFFFFFFC0];
	[tilespmem:s18+$0x1020 ss:$0x81] =	vst.msk $0xffff, v5;
	s17 =	sadd.s32 $0x80, s17  }
0x50: {  	s20 =	simm.s32 $0x4;
	s21 =	simm.s32 $0x8;
	s16 =	sor.u32 $0x8000, s16;
	[tilespmem:s18+$0x1830 ss:$0x81] =	vst.msk $0xffff, v6;
	v0 =	vld [tilespmem:s17+$0x30]  }
.LBB1_3:
0x51: {  	p1 =	sne.s32 s21, $0x1FC;
	v5 =	vld [tilespmem:s17+$0xFFFFFFD0];
	[tilespmem:s18+$0x2040 ss:$0x81] =	vst.msk $0xffff, v4  }
0x52: {  	v6 =	vld [tilespmem:s17+$0xFFFFFFE0];
	[tilespmem:s18+$0x2850 ss:$0x81] =	vst.msk $0xffff, v3  }
0x53: {  	s22 =	sshra.s32 s20, $0x2;
	s20 =	smov.u32 s21;
	v7 =	vld [tilespmem:s17+$0xFFFFFFF0];
	[tilespmem:s18+$0x3060 ss:$0x81] =	vst.msk $0xffff, v2  }
.Ltmp3:
0x54: {  	v4 =	vld [tilespmem:s17+$0x0];
	[tilespmem:s18+$0x0 ss:$0x81] =	vst.msk $0xffff, v1;
	s18 =	sadd.s32 s22, s19;
	(pc) =	sbr.rel @p1 .LBB1_3-.Ltmp3, $4  }
0x55: {  	v3 =	vld [tilespmem:s17+$0x10];
	[tilespmem:s18+$0x3870 ss:$0x81] =	vst.msk $0xffff, v0  }
0x56: {  	[tilespmem:s18+$0x810 ss:$0x81] =	vst.msk $0xffff, v5;
	v2 =	vld [tilespmem:s17+$0x20]  }
0x57: {  	v1 =	vld [tilespmem:s17+$0xFFFFFFC0];
	[tilespmem:s18+$0x1020 ss:$0x81] =	vst.msk $0xffff, v6;
	s17 =	sadd.s32 $0x80, s17  }
0x58: {  	s21 =	sadd.s32 $0x4, s21;
	v0 =	vld [tilespmem:s17+$0x30];
	[tilespmem:s18+$0x1830 ss:$0x81] =	vst.msk $0xffff, v7  }
.Ltmp4:
0x59: {  	_ = 	snop;
	(pc) =	sbr.rel .LBB1_4-.Ltmp4, $1  }
0x5a: {  	_ =	sdelay $0x3  }
.LBB1_6:
0x5b: {  	_ =	sfence.sel $0x180000  }
0x5c: {  	s2 =	simm.s32 $0x1;
	[bflag:$0x0] =	sbarrier.arrive $0xFFFF  }
0x5d: {  	s31 =	simm.s32 $0x2;
	[sflag:s2] =	ssyncpa.u1 $0x1  }
0x5e: {  	[sflag:s31] =	ssyncpa.u1 $0x1  }
0x5f: {  	p0 =	sne.s32 s0, $0x0;
	_ =	strace $0x9000004A  }
0x60: {  	s0 =	sadd.s32 @!p0 $0x100000, s1;
	[bflag:$0x2] =	sbarrier.arrive $0xFFFF  }
0x61: {  	[sflag:s0] =	ssyncadd.tile.s32 @!p0 $0x1;
	_ =	shalt  }
.Lfunc_end1:
_tile_overlayer_lowered:
.L_overlay_start_2:
0x62: {  	(tag) =	ssettag $0x2  }
0x63: {  	s0 =	rddreg [dreg:$0x0];
	s2 =	stileid.u32  }
0x64: {  	s1 =	rddreg [dreg:$0x1];
	p0 =	sne.s32 s2, $0x0  }
0x65: {  	s3 =	rddreg [dreg:$0x2];
	[bflag:$0x3] =	sbarrier.arrive $0xFFFF;
	s2 =	simm.s32 @!p0 $0x1C01  }
0x66: {  	[timem:s3], [sflag:s2] =	dma.local @!p0 [hbm:s0], s1  }
0x67: {  	s0 =	simm.s32 @!p0 $0x1  }
0x68: {  	_ =	swait.ge @!p0 [sflag:s0], s1  }
0x69: {  	s1 =	ssub.s32 @!p0 $0x0, s1;
	[sflag:s0] =	ssyncset.done @!p0 $0x0  }
0x6a: {  	[sflag:s0] =	ssyncadd.s32 @!p0 s1  }
0x6b: {  	[bflag:$0x3] =	sbarrier.arrive $0xFFFF  }
0x6c: {  	_ =	shalt  }

</sc_bundles>
